<compile_context>
chip_gen: v7x
topology: tpu7x:2x2x1
jax: 0.10.2.dev20260603
libtpu: 0.0.44.dev20260713+nightly
codegen_flags: <defaults>
</compile_context>

<pallas_src>
import functools
import jax, jax.numpy as jnp
from jax import lax
from jax.experimental import pallas as pl
from jax.experimental.pallas import tpu as pltpu
from jax.experimental.pallas import tpu_sc as plsc

N, D, E, F = 2048, 768, 64, 1024
C = 96
NBLK = N // 128
NSLOT = (E + 2) * C
DUMMY_SLOT = E * C

NC, NS = 2, 16
NW = NC * NS
TOK_PER_W = N // NW


RB = 512


def _router_body(x_ref, wr_ref, mask_ref, l65_ref, sel_ref, tts_ref, weff_ref,
                 counts_ref):
    i = pl.program_id(0)

    @pl.when(i == 0)
    def _():
        counts_ref[...] = jnp.zeros_like(counts_ref)

    xb = x_ref[...]
    logits = jnp.dot(xb, wr_ref[...], preferred_element_type=jnp.float32)
    logits = logits * mask_ref[...]
    l65 = jnp.concatenate(
        [logits, jnp.zeros((RB, 1), jnp.float32)], axis=1)
    m = jnp.max(l65, axis=1, keepdims=True)
    denom = jnp.sum(jnp.exp(l65 - m), axis=1, keepdims=True)
    w = 1.0 / denom
    idx = jax.lax.broadcasted_iota(jnp.int32, (RB, E + 1), 1)
    ismax = l65 == m
    sel = jnp.min(jnp.where(ismax, idx, E + 1), axis=1, keepdims=True)
    onehot = (idx == sel).astype(jnp.float32)
    r = jax.lax.broadcasted_iota(jnp.int32, (RB, RB), 0)
    c = jax.lax.broadcasted_iota(jnp.int32, (RB, RB), 1)
    ltri = (c < r).astype(jnp.float32)
    rank_in = jnp.dot(ltri, onehot, preferred_element_type=jnp.float32)
    base = counts_ref[0:1, 0:E + 1]
    rank = jnp.sum((rank_in + base) * onehot, axis=1, keepdims=True)
    counts_ref[0:1, 0:E + 1] = base + jnp.sum(onehot, axis=0, keepdims=True)
    rank_i = jnp.minimum(rank.astype(jnp.int32), C - 1)
    is_real = sel < E
    l65_ref[...] = l65
    sel_ref[...] = sel
    tts_ref[...] = jnp.where(is_real, sel * C + rank_i, DUMMY_SLOT)
    weff_ref[...] = jnp.broadcast_to(jnp.where(is_real, w, 0.0), (RB, 128))


def _router(x, mask2d, W_router):
    return pl.pallas_call(
        _router_body,
        grid=(N // RB,),
        in_specs=[
            pl.BlockSpec((RB, D), lambda i: (i, 0)),
            pl.BlockSpec((D, E), lambda i: (0, 0)),
            pl.BlockSpec((1, E), lambda i: (0, 0)),
        ],
        out_specs=[
            pl.BlockSpec((RB, E + 1), lambda i: (i, 0)),
            pl.BlockSpec((RB, 1), lambda i: (i, 0)),
            pl.BlockSpec((RB, 1), lambda i: (i, 0)),
            pl.BlockSpec((RB, 128), lambda i: (i, 0)),
        ],
        out_shape=[
            jax.ShapeDtypeStruct((N, E + 1), jnp.float32),
            jax.ShapeDtypeStruct((N, 1), jnp.int32),
            jax.ShapeDtypeStruct((N, 1), jnp.int32),
            jax.ShapeDtypeStruct((N, 128), jnp.float32),
        ],
        scratch_shapes=[pltpu.VMEM((8, 128), jnp.float32)],
    )(x, W_router, mask2d)


@functools.partial(
    pl.kernel,
    out_type=[
        jax.ShapeDtypeStruct((NSLOT, D), jnp.float32),
        jax.ShapeDtypeStruct((NSLOT, 128), jnp.float32),
    ],
    mesh=plsc.VectorSubcoreMesh(core_axis_name="c", subcore_axis_name="s"),
    scratch_types=[
        pltpu.VMEM((TOK_PER_W,), jnp.int32),
        pltpu.VMEM((TOK_PER_W, D), jnp.float32),
        pltpu.VMEM((TOK_PER_W, 128), jnp.float32),
        pltpu.SemaphoreType.DMA,
        pltpu.SemaphoreType.DMA,
    ],
)
def _dispatch(tts_hbm, x_hbm, weff_hbm, xg_hbm, wg_hbm, tts_v, rows, wrows,
              sem, sem2):
    wid = lax.axis_index("s") * NC + lax.axis_index("c")
    base = wid * TOK_PER_W
    c0 = pltpu.async_copy(tts_hbm.at[pl.ds(base, TOK_PER_W)], tts_v, sem)
    c1 = pltpu.async_copy(x_hbm.at[pl.ds(base, TOK_PER_W)], rows, sem2)
    c2 = pltpu.async_copy(weff_hbm.at[pl.ds(base, TOK_PER_W)], wrows, sem)
    c0.wait()
    c1.wait()
    c2.wait()
    d1 = pltpu.async_copy(rows, xg_hbm.at[tts_v], sem)
    d2 = pltpu.async_copy(wrows, wg_hbm.at[tts_v], sem2)
    d1.wait()
    d2.wait()


def _ffn_body(xg_ref, wg_ref, w1_ref, b1_ref, w2_ref, b2_ref, yg_ref):
    xb = xg_ref[...]
    h = jax.nn.gelu(
        jnp.dot(xb, w1_ref[0], preferred_element_type=jnp.float32)
        + b1_ref[0])
    y = (jnp.dot(h, w2_ref[0], preferred_element_type=jnp.float32)
         + b2_ref[0])
    yg_ref[...] = y * wg_ref[:, 0:1]


def _ffn(xg, wg, W1, b1, W2, b2):
    emap3 = lambda e: (jnp.minimum(e, E - 1), 0, 0)
    return pl.pallas_call(
        _ffn_body,
        grid=(NSLOT // C,),
        in_specs=[
            pl.BlockSpec((C, D), lambda e: (e, 0)),
            pl.BlockSpec((C, 128), lambda e: (e, 0)),
            pl.BlockSpec((1, D, F), emap3),
            pl.BlockSpec((1, 1, F), emap3),
            pl.BlockSpec((1, F, D), emap3),
            pl.BlockSpec((1, 1, D), emap3),
        ],
        out_specs=pl.BlockSpec((C, D), lambda e: (e, 0)),
        out_shape=jax.ShapeDtypeStruct((NSLOT, D), jnp.float32),
    )(xg, wg, W1, b1.reshape(E, 1, F), W2, b2.reshape(E, 1, D))


@functools.partial(
    pl.kernel,
    out_type=jax.ShapeDtypeStruct((N, D), jnp.float32),
    mesh=plsc.VectorSubcoreMesh(core_axis_name="c", subcore_axis_name="s"),
    scratch_types=[
        pltpu.VMEM((TOK_PER_W,), jnp.int32),
        pltpu.VMEM((TOK_PER_W, D), jnp.float32),
        pltpu.SemaphoreType.DMA,
    ],
)
def _combine(tts_hbm, yg_hbm, out_hbm, tts_v, rows, sem):
    wid = lax.axis_index("s") * NC + lax.axis_index("c")
    base = wid * TOK_PER_W
    pltpu.sync_copy(tts_hbm.at[pl.ds(base, TOK_PER_W)], tts_v)
    pltpu.async_copy(yg_hbm.at[tts_v], rows, sem).wait()
    pltpu.sync_copy(rows, out_hbm.at[pl.ds(base, TOK_PER_W)])


def kernel(inputs, mask, W_router, W1, b1, W2, b2):
    x = inputs.reshape(N, D)
    l65, sel, tts2, weff = _router(x, mask.reshape(1, E), W_router)
    tts = tts2.reshape(N)
    xg, wg = _dispatch(tts, x, weff)
    yg = _ffn(xg, wg, W1, b1, W2, b2)
    out = _combine(tts, yg)
    return out.reshape(inputs.shape), l65, sel

# --- scband reference (transcript-rebuilt; emitter-appended) ---
"""Pipeline reference for scband-masked-mo-e-30897994727625 (READ-ONLY COPY).

The authoritative reference and input builder live on the scoring server;
editing this copy changes nothing except your own understanding.
"""

import jax, jax.numpy as jnp
import numpy as np

D_MODEL = 768
N_EXPERTS = 64
D_FF = 1024
TOP_K = 1


def setup_inputs(seed: int = 0) -> dict:
    key = jax.random.key(seed)
    k = jax.random.split(key, 6)
    inputs = jax.random.normal(k[0], (1, 2048, D_MODEL), dtype=jnp.float32)
    mask = jnp.ones((N_EXPERTS,), dtype=jnp.float32)
    W_router = jax.random.normal(k[1], (D_MODEL, N_EXPERTS), dtype=jnp.float32) * 0.02
    W1 = jax.random.normal(k[2], (N_EXPERTS, D_MODEL, D_FF), dtype=jnp.float32) * 0.02
    b1 = jnp.zeros((N_EXPERTS, D_FF), dtype=jnp.float32)
    W2 = jax.random.normal(k[3], (N_EXPERTS, D_FF, D_MODEL), dtype=jnp.float32) * 0.02
    b2 = jnp.zeros((N_EXPERTS, D_MODEL), dtype=jnp.float32)
    return {"inputs": inputs, "mask": mask, "W_router": W_router,
            "W1": W1, "b1": b1, "W2": W2, "b2": b2}


def reference(inputs, mask, W_router, W1, b1, W2, b2):
    # inputs: [B, S, D]; mask: [E] multiplicative mask on router logits.
    x = inputs.reshape(-1, inputs.shape[-1])  # [N, D]
    router_logits = x @ W_router              # [N, E]
    router_logits = router_logits * mask[None, :]
    # MaskedMoE appends a dummy expert with zero logit (torch.cat with 0),
    # taking the generic (sum_of_logits >= 1e-20) branch.
    router_logits = jnp.concatenate(
        [router_logits, jnp.zeros((x.shape[0], 1), dtype=router_logits.dtype)], axis=1)
    # softmax_order == 'softmax_topk'
    all_probs = jax.nn.softmax(router_logits, axis=1)
    weights, selected_experts = jax.lax.top_k(all_probs, TOP_K)  # [N, K]
    results = jnp.zeros_like(x)
    for i in range(N_EXPERTS + 1):
        # weight of expert i for each token (0 if not selected)
        w_i = jnp.sum(weights * (selected_experts == i).astype(weights.dtype), axis=-1)  # [N]
        if i < N_EXPERTS:
            h = jax.nn.gelu(x @ W1[i] + b1[i])
            out = h @ W2[i] + b2[i]
        else:
            # DummyExpert returns zeros of shape (n_embd,) -> contributes nothing
            out = jnp.zeros_like(x)
        results = results + w_i[:, None] * out
    return (results.reshape(inputs.shape), router_logits, selected_experts)

if __name__ == "__main__":
    import jax
    _d = setup_inputs()
    print(jax.jit(kernel)(*tuple(_d.values())))

</pallas_src>

<mosaic_0001>
#map = affine_map<(d0, d1) -> (0)>
#map1 = affine_map<(d0, d1) -> (0, 0)>
module attributes {stable_mosaic.version = 14 : i64} {
  func.func @_combine(%arg0: i32, %arg1: i32, %arg2: memref<2048xi32, #tpu.memory_space<hbm>>, %arg3: memref<6336x768xf32, #tpu.memory_space<hbm>>, %arg4: memref<2048x768xf32, #tpu.memory_space<hbm>>, %arg5: memref<64xi32, #tpu.memory_space<vmem>>, %arg6: memref<64x768xf32, #tpu.memory_space<vmem>>, %arg7: memref<!tpu.dma_semaphore, #tpu.memory_space<semaphore_mem>>) attributes {dimension_semantics = [#tpu.dimension_semantics<core_parallel>, #tpu.dimension_semantics<subcore_parallel>], iteration_bounds = array<i64: 2, 16>, scalar_prefetch = 0 : i64, scratch_operands = 3 : i64, tpu.core_type = #tpu.core_type<sc_vector_subcore>, window_params = [{transform_indices = #map}, {transform_indices = #map1}, {transform_indices = #map1}]} {
    %mul3A = arith.constant 2 : i32
    %mul3A_0 = arith.muli %arg1, %mul3A : i32
    %add3A = arith.addi %mul3A_0, %arg0 : i32
    %mul3A_1 = arith.constant 64 : i32
    %mul3A_2 = arith.muli %add3A, %mul3A_1 : i32
    "tpu.region"() ({
      %run_scoped3A = tpu.sem_alloc : memref<!tpu.dma_semaphore, #tpu.memory_space<semaphore_mem>>
      %dma_start3A_7 = tpu.memref_slice %arg2[%mul3A_2] : memref<2048xi32, #tpu.memory_space<hbm>> -> memref<64xi32, #tpu.memory_space<hbm>>
      %dma_start3A_8 = tpu.memref_slice %arg2[%mul3A_2] : memref<2048xi32, #tpu.memory_space<hbm>> -> memref<64xi32, #tpu.memory_space<hbm>>
      tpu.enqueue_dma source(%dma_start3A_8 : memref<64xi32, #tpu.memory_space<hbm>>) target(%arg5 : memref<64xi32, #tpu.memory_space<vmem>>) target_semaphore(%run_scoped3A : memref<!tpu.dma_semaphore, #tpu.memory_space<semaphore_mem>>)
      %dma_wait3A_9 = tpu.memref_slice %arg2[%mul3A_2] : memref<2048xi32, #tpu.memory_space<hbm>> -> memref<64xi32, #tpu.memory_space<hbm>>
      %dma_wait3A_10 = tpu.memref_slice %arg2[%mul3A_2] : memref<2048xi32, #tpu.memory_space<hbm>> -> memref<64xi32, #tpu.memory_space<hbm>>
      tpu.wait_dma2 semaphore(%run_scoped3A : memref<!tpu.dma_semaphore, #tpu.memory_space<semaphore_mem>>) src(%dma_wait3A_10 : memref<64xi32, #tpu.memory_space<hbm>>) dst(%arg5 : memref<64xi32, #tpu.memory_space<vmem>>)
      tpu.yield
    }) : () -> ()
    %dma_start3A = arith.constant 0 : i32
    %dma_start3A_3 = arith.constant 0 : i32
    %dma_start3A_4 = tpu.memref_slice %arg3[%dma_start3A, %dma_start3A_3] : memref<6336x768xf32, #tpu.memory_space<hbm>> -> memref<6336x768xf32, #tpu.memory_space<hbm>>
    tpu.enqueue_indirect_dma source(%dma_start3A_4 : memref<6336x768xf32, #tpu.memory_space<hbm>>) target(%arg6 : memref<64x768xf32, #tpu.memory_space<vmem>>) offsets(%arg5 : memref<64xi32, #tpu.memory_space<vmem>>) semaphore(%arg7 : memref<!tpu.dma_semaphore, #tpu.memory_space<semaphore_mem>>)
    %dma_wait3A = arith.constant 0 : i32
    %dma_wait3A_5 = arith.constant 0 : i32
    %dma_wait3A_6 = tpu.memref_slice %arg3[%dma_wait3A, %dma_wait3A_5] : memref<6336x768xf32, #tpu.memory_space<hbm>> -> memref<6336x768xf32, #tpu.memory_space<hbm>>
    tpu.wait_indirect_dma semaphore(%arg7 : memref<!tpu.dma_semaphore, #tpu.memory_space<semaphore_mem>>) src(%dma_wait3A_6 : memref<6336x768xf32, #tpu.memory_space<hbm>>) dst(%arg6 : memref<64x768xf32, #tpu.memory_space<vmem>>)
    "tpu.region"() ({
      %run_scoped3A = tpu.sem_alloc : memref<!tpu.dma_semaphore, #tpu.memory_space<semaphore_mem>>
      %dma_start3A_7 = arith.constant 0 : i32
      %dma_start3A_8 = tpu.memref_slice %arg4[%mul3A_2, %dma_start3A_7] : memref<2048x768xf32, #tpu.memory_space<hbm>> -> memref<64x768xf32, #tpu.memory_space<hbm>>
      %dma_start3A_9 = arith.constant 0 : i32
      %dma_start3A_10 = tpu.memref_slice %arg4[%mul3A_2, %dma_start3A_9] : memref<2048x768xf32, #tpu.memory_space<hbm>> -> memref<64x768xf32, #tpu.memory_space<hbm>>
      tpu.enqueue_dma source(%arg6 : memref<64x768xf32, #tpu.memory_space<vmem>>) target(%dma_start3A_10 : memref<64x768xf32, #tpu.memory_space<hbm>>) target_semaphore(%run_scoped3A : memref<!tpu.dma_semaphore, #tpu.memory_space<semaphore_mem>>)
      %dma_wait3A_11 = arith.constant 0 : i32
      %dma_wait3A_12 = tpu.memref_slice %arg4[%mul3A_2, %dma_wait3A_11] : memref<2048x768xf32, #tpu.memory_space<hbm>> -> memref<64x768xf32, #tpu.memory_space<hbm>>
      %dma_wait3A_13 = arith.constant 0 : i32
      %dma_wait3A_14 = tpu.memref_slice %arg4[%mul3A_2, %dma_wait3A_13] : memref<2048x768xf32, #tpu.memory_space<hbm>> -> memref<64x768xf32, #tpu.memory_space<hbm>>
      tpu.wait_dma2 semaphore(%run_scoped3A : memref<!tpu.dma_semaphore, #tpu.memory_space<semaphore_mem>>) src(%arg6 : memref<64x768xf32, #tpu.memory_space<vmem>>) dst(%dma_wait3A_14 : memref<64x768xf32, #tpu.memory_space<hbm>>)
      tpu.yield
    }) : () -> ()
    return
  }
}

#map = affine_map<(d0, d1) -> (0)>
#map1 = affine_map<(d0, d1) -> (0, 0)>
module attributes {stable_mosaic.version = 14 : i64} {
  func.func @_dispatch(%arg0: i32, %arg1: i32, %arg2: memref<2048xi32, #tpu.memory_space<hbm>>, %arg3: memref<2048x768xf32, #tpu.memory_space<hbm>>, %arg4: memref<2048x128xf32, #tpu.memory_space<hbm>>, %arg5: memref<6336x768xf32, #tpu.memory_space<hbm>>, %arg6: memref<6336x128xf32, #tpu.memory_space<hbm>>, %arg7: memref<64xi32, #tpu.memory_space<vmem>>, %arg8: memref<64x768xf32, #tpu.memory_space<vmem>>, %arg9: memref<64x128xf32, #tpu.memory_space<vmem>>, %arg10: memref<!tpu.dma_semaphore, #tpu.memory_space<semaphore_mem>>, %arg11: memref<!tpu.dma_semaphore, #tpu.memory_space<semaphore_mem>>) attributes {dimension_semantics = [#tpu.dimension_semantics<core_parallel>, #tpu.dimension_semantics<subcore_parallel>], iteration_bounds = array<i64: 2, 16>, scalar_prefetch = 0 : i64, scratch_operands = 5 : i64, tpu.core_type = #tpu.core_type<sc_vector_subcore>, window_params = [{transform_indices = #map}, {transform_indices = #map1}, {transform_indices = #map1}, {transform_indices = #map1}, {transform_indices = #map1}]} {
    %mul3A = arith.constant 2 : i32
    %mul3A_0 = arith.muli %arg1, %mul3A : i32
    %add3A = arith.addi %mul3A_0, %arg0 : i32
    %mul3A_1 = arith.constant 64 : i32
    %mul3A_2 = arith.muli %add3A, %mul3A_1 : i32
    %dma_start3A = tpu.memref_slice %arg2[%mul3A_2] : memref<2048xi32, #tpu.memory_space<hbm>> -> memref<64xi32, #tpu.memory_space<hbm>>
    %dma_start3A_3 = tpu.memref_slice %arg2[%mul3A_2] : memref<2048xi32, #tpu.memory_space<hbm>> -> memref<64xi32, #tpu.memory_space<hbm>>
    tpu.enqueue_dma source(%dma_start3A_3 : memref<64xi32, #tpu.memory_space<hbm>>) target(%arg7 : memref<64xi32, #tpu.memory_space<vmem>>) target_semaphore(%arg10 : memref<!tpu.dma_semaphore, #tpu.memory_space<semaphore_mem>>)
    %dma_start3A_4 = arith.constant 0 : i32
    %dma_start3A_5 = tpu.memref_slice %arg3[%mul3A_2, %dma_start3A_4] : memref<2048x768xf32, #tpu.memory_space<hbm>> -> memref<64x768xf32, #tpu.memory_space<hbm>>
    %dma_start3A_6 = arith.constant 0 : i32
    %dma_start3A_7 = tpu.memref_slice %arg3[%mul3A_2, %dma_start3A_6] : memref<2048x768xf32, #tpu.memory_space<hbm>> -> memref<64x768xf32, #tpu.memory_space<hbm>>
    tpu.enqueue_dma source(%dma_start3A_7 : memref<64x768xf32, #tpu.memory_space<hbm>>) target(%arg8 : memref<64x768xf32, #tpu.memory_space<vmem>>) target_semaphore(%arg11 : memref<!tpu.dma_semaphore, #tpu.memory_space<semaphore_mem>>)
    %dma_start3A_8 = arith.constant 0 : i32
    %dma_start3A_9 = tpu.memref_slice %arg4[%mul3A_2, %dma_start3A_8] : memref<2048x128xf32, #tpu.memory_space<hbm>> -> memref<64x128xf32, #tpu.memory_space<hbm>>
    %dma_start3A_10 = arith.constant 0 : i32
    %dma_start3A_11 = tpu.memref_slice %arg4[%mul3A_2, %dma_start3A_10] : memref<2048x128xf32, #tpu.memory_space<hbm>> -> memref<64x128xf32, #tpu.memory_space<hbm>>
    tpu.enqueue_dma source(%dma_start3A_11 : memref<64x128xf32, #tpu.memory_space<hbm>>) target(%arg9 : memref<64x128xf32, #tpu.memory_space<vmem>>) target_semaphore(%arg10 : memref<!tpu.dma_semaphore, #tpu.memory_space<semaphore_mem>>)
    %dma_wait3A = tpu.memref_slice %arg2[%mul3A_2] : memref<2048xi32, #tpu.memory_space<hbm>> -> memref<64xi32, #tpu.memory_space<hbm>>
    %dma_wait3A_12 = tpu.memref_slice %arg2[%mul3A_2] : memref<2048xi32, #tpu.memory_space<hbm>> -> memref<64xi32, #tpu.memory_space<hbm>>
    tpu.wait_dma2 semaphore(%arg10 : memref<!tpu.dma_semaphore, #tpu.memory_space<semaphore_mem>>) src(%dma_wait3A_12 : memref<64xi32, #tpu.memory_space<hbm>>) dst(%arg7 : memref<64xi32, #tpu.memory_space<vmem>>)
    %dma_wait3A_13 = arith.constant 0 : i32
    %dma_wait3A_14 = tpu.memref_slice %arg3[%mul3A_2, %dma_wait3A_13] : memref<2048x768xf32, #tpu.memory_space<hbm>> -> memref<64x768xf32, #tpu.memory_space<hbm>>
    %dma_wait3A_15 = arith.constant 0 : i32
    %dma_wait3A_16 = tpu.memref_slice %arg3[%mul3A_2, %dma_wait3A_15] : memref<2048x768xf32, #tpu.memory_space<hbm>> -> memref<64x768xf32, #tpu.memory_space<hbm>>
    tpu.wait_dma2 semaphore(%arg11 : memref<!tpu.dma_semaphore, #tpu.memory_space<semaphore_mem>>) src(%dma_wait3A_16 : memref<64x768xf32, #tpu.memory_space<hbm>>) dst(%arg8 : memref<64x768xf32, #tpu.memory_space<vmem>>)
    %dma_wait3A_17 = arith.constant 0 : i32
    %dma_wait3A_18 = tpu.memref_slice %arg4[%mul3A_2, %dma_wait3A_17] : memref<2048x128xf32, #tpu.memory_space<hbm>> -> memref<64x128xf32, #tpu.memory_space<hbm>>
    %dma_wait3A_19 = arith.constant 0 : i32
    %dma_wait3A_20 = tpu.memref_slice %arg4[%mul3A_2, %dma_wait3A_19] : memref<2048x128xf32, #tpu.memory_space<hbm>> -> memref<64x128xf32, #tpu.memory_space<hbm>>
    tpu.wait_dma2 semaphore(%arg10 : memref<!tpu.dma_semaphore, #tpu.memory_space<semaphore_mem>>) src(%dma_wait3A_20 : memref<64x128xf32, #tpu.memory_space<hbm>>) dst(%arg9 : memref<64x128xf32, #tpu.memory_space<vmem>>)
    %dma_start3A_21 = arith.constant 0 : i32
    %dma_start3A_22 = arith.constant 0 : i32
    %dma_start3A_23 = tpu.memref_slice %arg5[%dma_start3A_21, %dma_start3A_22] : memref<6336x768xf32, #tpu.memory_space<hbm>> -> memref<6336x768xf32, #tpu.memory_space<hbm>>
    tpu.enqueue_indirect_dma source(%arg8 : memref<64x768xf32, #tpu.memory_space<vmem>>) target(%dma_start3A_23 : memref<6336x768xf32, #tpu.memory_space<hbm>>) offsets(%arg7 : memref<64xi32, #tpu.memory_space<vmem>>) semaphore(%arg10 : memref<!tpu.dma_semaphore, #tpu.memory_space<semaphore_mem>>)
    %dma_start3A_24 = arith.constant 0 : i32
    %dma_start3A_25 = arith.constant 0 : i32
    %dma_start3A_26 = tpu.memref_slice %arg6[%dma_start3A_24, %dma_start3A_25] : memref<6336x128xf32, #tpu.memory_space<hbm>> -> memref<6336x128xf32, #tpu.memory_space<hbm>>
    tpu.enqueue_indirect_dma source(%arg9 : memref<64x128xf32, #tpu.memory_space<vmem>>) target(%dma_start3A_26 : memref<6336x128xf32, #tpu.memory_space<hbm>>) offsets(%arg7 : memref<64xi32, #tpu.memory_space<vmem>>) semaphore(%arg11 : memref<!tpu.dma_semaphore, #tpu.memory_space<semaphore_mem>>)
    %dma_wait3A_27 = arith.constant 0 : i32
    %dma_wait3A_28 = arith.constant 0 : i32
    %dma_wait3A_29 = tpu.memref_slice %arg5[%dma_wait3A_27, %dma_wait3A_28] : memref<6336x768xf32, #tpu.memory_space<hbm>> -> memref<6336x768xf32, #tpu.memory_space<hbm>>
    tpu.wait_indirect_dma semaphore(%arg10 : memref<!tpu.dma_semaphore, #tpu.memory_space<semaphore_mem>>) src(%arg8 : memref<64x768xf32, #tpu.memory_space<vmem>>) dst(%dma_wait3A_29 : memref<6336x768xf32, #tpu.memory_space<hbm>>)
    %dma_wait3A_30 = arith.constant 0 : i32
    %dma_wait3A_31 = arith.constant 0 : i32
    %dma_wait3A_32 = tpu.memref_slice %arg6[%dma_wait3A_30, %dma_wait3A_31] : memref<6336x128xf32, #tpu.memory_space<hbm>> -> memref<6336x128xf32, #tpu.memory_space<hbm>>
    tpu.wait_indirect_dma semaphore(%arg11 : memref<!tpu.dma_semaphore, #tpu.memory_space<semaphore_mem>>) src(%arg9 : memref<64x128xf32, #tpu.memory_space<vmem>>) dst(%dma_wait3A_32 : memref<6336x128xf32, #tpu.memory_space<hbm>>)
    return
  }
}

module attributes {stable_mosaic.version = 14 : i64} {
  func.func @_router_body(%arg0: i32, %arg1: memref<512x768xf32, #tpu.memory_space<vmem>>, %arg2: memref<768x64xf32, #tpu.memory_space<vmem>>, %arg3: memref<1x64xf32, #tpu.memory_space<vmem>>, %arg4: memref<512x65xf32, #tpu.memory_space<vmem>>, %arg5: memref<512x1xi32, #tpu.memory_space<vmem>>, %arg6: memref<512x1xi32, #tpu.memory_space<vmem>>, %arg7: memref<512x128xf32, #tpu.memory_space<vmem>>, %arg8: memref<8x128xf32, #tpu.memory_space<vmem>>) attributes {dimension_semantics = [#tpu.dimension_semantics<arbitrary>], iteration_bounds = array<i64: 4>, scalar_prefetch = 0 : i64, scratch_operands = 1 : i64, tpu.core_type = #tpu.core_type<tc>, window_params = [{transform_indices = @transform_0, window_bounds = array<i64: 512, 768>}, {pipeline_mode = #tpu.pipeline_mode<synchronous>, transform_indices = @transform_1, window_bounds = array<i64: 768, 64>}, {pipeline_mode = #tpu.pipeline_mode<synchronous>, transform_indices = @transform_2, window_bounds = array<i64: 1, 64>}, {transform_indices = @transform_3, window_bounds = array<i64: 512, 65>}, {transform_indices = @transform_4, window_bounds = array<i64: 512, 1>}, {transform_indices = @transform_5, window_bounds = array<i64: 512, 1>}, {transform_indices = @transform_6, window_bounds = array<i64: 512, 128>}]} {
    %eq3A = arith.constant 0 : i32
    %eq3A_0 = arith.cmpi eq, %arg0, %eq3A : i32
    %convert_element_type3A = arith.extui %eq3A_0 : i1 to i32
    %cond3A = arith.constant 0 : i32
    %cond3A_1 = arith.cmpi ne, %convert_element_type3A, %cond3A : i32
    scf.if %cond3A_1 {
      %broadcast_in_dim3A_79 = arith.constant 0.000000e+00 : f32
      %broadcast_in_dim3A_80 = vector.broadcast %broadcast_in_dim3A_79 : f32 to vector<8x128xf32>
      %swap3A_81 = arith.constant 0 : index
      %swap3A_82 = arith.constant 0 : index
      %swap3A_83 = vector.load %arg8[%swap3A_81, %swap3A_82] : memref<8x128xf32, #tpu.memory_space<vmem>>, vector<8x128xf32>
      tpu.vector_store %arg8[%swap3A_81, %swap3A_82], %broadcast_in_dim3A_80 {strides = array<i32>} : memref<8x128xf32, #tpu.memory_space<vmem>>, vector<8x128xf32>,
    } else {
    }
    %get3A = arith.constant 0 : index
    %get3A_2 = arith.constant 0 : index
    %get3A_3 = vector.load %arg1[%get3A, %get3A_2] : memref<512x768xf32, #tpu.memory_space<vmem>>, vector<512x768xf32>
    %get3A_4 = arith.constant 0 : index
    %get3A_5 = arith.constant 0 : index
    %get3A_6 = vector.load %arg2[%get3A_4, %get3A_5] : memref<768x64xf32, #tpu.memory_space<vmem>>, vector<768x64xf32>
    %dot_general3A = arith.constant dense<0.000000e+00> : vector<512x64xf32>
    %dot_general3A_7 = tpu.matmul %get3A_3, %get3A_6, %dot_general3A {dimension_numbers = #tpu.dot_dimension_numbers<[1], [0], [0], [1], [0, 0, 1, 1], [], []>, transpose_lhs_hint = false} : vector<512x768xf32>, vector<768x64xf32>, vector<512x64xf32> -> vector<512x64xf32>
    %get3A_8 = arith.constant 0 : index
    %get3A_9 = arith.constant 0 : index
    %get3A_10 = vector.load %arg3[%get3A_8, %get3A_9] : memref<1x64xf32, #tpu.memory_space<vmem>>, vector<1x64xf32>
    %mul3A = vector.broadcast %get3A_10 : vector<1x64xf32> to vector<512x64xf32>
    %mul3A_11 = arith.mulf %dot_general3A_7, %mul3A : vector<512x64xf32>
    %broadcast_in_dim3A = arith.constant 0.000000e+00 : f32
    %broadcast_in_dim3A_12 = vector.broadcast %broadcast_in_dim3A : f32 to vector<512x1xf32>
    %concatenate3A = tpu.concatenate %mul3A_11, %broadcast_in_dim3A_12 in 1 : vector<512x64xf32>, vector<512x1xf32> -> vector<512x65xf32>
    %reduce_max3A = arith.constant dense<0xFF800000> : vector<512xf32>
    %reduce_max3A_13 = vector.multi_reduction <maximumf>, %concatenate3A, %reduce_max3A [1] : vector<512x65xf32> to vector<512xf32>
    %broadcast_in_dim3A_14 = vector.shape_cast %reduce_max3A_13 : vector<512xf32> to vector<512x1xf32>
    %sub3A = vector.broadcast %broadcast_in_dim3A_14 : vector<512x1xf32> to vector<512x65xf32>
    %sub3A_15 = arith.subf %concatenate3A, %sub3A : vector<512x65xf32>
    %exp3A = math.exp %sub3A_15 : vector<512x65xf32>
    %reduce_sum3A = arith.constant dense<0.000000e+00> : vector<512xf32>
    %reduce_sum3A_16 = vector.multi_reduction <add>, %exp3A, %reduce_sum3A [1] : vector<512x65xf32> to vector<512xf32>
    %broadcast_in_dim3A_17 = vector.shape_cast %reduce_sum3A_16 : vector<512xf32> to vector<512x1xf32>
    %div3A = arith.constant 1.000000e+00 : f32
    %div3A_18 = vector.broadcast %div3A : f32 to vector<512x1xf32>
    %div3A_19 = arith.divf %div3A_18, %broadcast_in_dim3A_17 : vector<512x1xf32>
    %iota3A = tpu.iota {dimensions = array<i32: 1>} : vector<512x65xi32>
    %eq3A_20 = vector.broadcast %broadcast_in_dim3A_14 : vector<512x1xf32> to vector<512x65xf32>
    %eq3A_21 = arith.cmpf oeq, %concatenate3A, %eq3A_20 : vector<512x65xf32>
    %jit3A = arith.constant 65 : i32
    %broadcast_in_dim3A_22 = vector.broadcast %jit3A : i32 to vector<512x65xi32>
    %select_n3A = arith.select %eq3A_21, %iota3A, %broadcast_in_dim3A_22 : vector<512x65xi1>, vector<512x65xi32>
    %reduce_min3A = arith.constant dense<2147483647> : vector<512xi32>
    %reduce_min3A_23 = vector.multi_reduction <minsi>, %select_n3A, %reduce_min3A [1] : vector<512x65xi32> to vector<512xi32>
    %broadcast_in_dim3A_24 = vector.shape_cast %reduce_min3A_23 : vector<512xi32> to vector<512x1xi32>
    %eq3A_25 = vector.broadcast %broadcast_in_dim3A_24 : vector<512x1xi32> to vector<512x65xi32>
    %eq3A_26 = arith.cmpi eq, %iota3A, %eq3A_25 : vector<512x65xi32>
    %convert_element_type3A_27 = arith.extui %eq3A_26 : vector<512x65xi1> to vector<512x65xi32>
    %convert_element_type3A_28 = arith.sitofp %convert_element_type3A_27 : vector<512x65xi32> to vector<512x65xf32>
    %iota3A_29 = tpu.iota {dimensions = array<i32: 0>} : vector<512x512xi32>
    %iota3A_30 = tpu.iota {dimensions = array<i32: 1>} : vector<512x512xi32>
    %lt3A = arith.cmpi slt, %iota3A_30, %iota3A_29 : vector<512x512xi32>
    %convert_element_type3A_31 = arith.extui %lt3A : vector<512x512xi1> to vector<512x512xi32>
    %convert_element_type3A_32 = arith.sitofp %convert_element_type3A_31 : vector<512x512xi32> to vector<512x512xf32>
    %dot_general3A_33 = arith.constant dense<0.000000e+00> : vector<512x65xf32>
    %dot_general3A_34 = tpu.matmul %convert_element_type3A_32, %convert_element_type3A_28, %dot_general3A_33 {dimension_numbers = #tpu.dot_dimension_numbers<[1], [0], [0], [1], [0, 0, 1, 1], [], []>, transpose_lhs_hint = false} : vector<512x512xf32>, vector<512x65xf32>, vector<512x65xf32> -> vector<512x65xf32>
    %get3A_35 = arith.constant 0 : index
    %get3A_36 = arith.constant 0 : index
    %get3A_37 = vector.load %arg8[%get3A_35, %get3A_36] : memref<8x128xf32, #tpu.memory_space<vmem>>, vector<1x65xf32>
    %add3A = vector.broadcast %get3A_37 : vector<1x65xf32> to vector<512x65xf32>
    %add3A_38 = arith.addf %dot_general3A_34, %add3A : vector<512x65xf32>
    %mul3A_39 = arith.mulf %add3A_38, %convert_element_type3A_28 : vector<512x65xf32>
    %reduce_sum3A_40 = arith.constant dense<0.000000e+00> : vector<512xf32>
    %reduce_sum3A_41 = vector.multi_reduction <add>, %mul3A_39, %reduce_sum3A_40 [1] : vector<512x65xf32> to vector<512xf32>
    %broadcast_in_dim3A_42 = vector.shape_cast %reduce_sum3A_41 : vector<512xf32> to vector<512x1xf32>
    %reduce_sum3A_43 = arith.constant dense<0.000000e+00> : vector<65xf32>
    %reduce_sum3A_44 = vector.multi_reduction <add>, %convert_element_type3A_28, %reduce_sum3A_43 [0] : vector<512x65xf32> to vector<65xf32>
    %broadcast_in_dim3A_45 = vector.shape_cast %reduce_sum3A_44 : vector<65xf32> to vector<1x65xf32>
    %add3A_46 = arith.addf %get3A_37, %broadcast_in_dim3A_45 : vector<1x65xf32>
    %swap3A = arith.constant 0 : index
    %swap3A_47 = arith.constant 0 : index
    %swap3A_48 = vector.load %arg8[%swap3A, %swap3A_47] : memref<8x128xf32, #tpu.memory_space<vmem>>, vector<1x65xf32>
    tpu.vector_store %arg8[%swap3A, %swap3A_47], %add3A_46 {strides = array<i32>} : memref<8x128xf32, #tpu.memory_space<vmem>>, vector<1x65xf32>,
    %convert_element_type3A_49 = arith.fptosi %broadcast_in_dim3A_42 : vector<512x1xf32> to vector<512x1xi32>
    %min3A = arith.constant 95 : i32
    %min3A_50 = vector.broadcast %min3A : i32 to vector<512x1xi32>
    %min3A_51 = arith.minsi %convert_element_type3A_49, %min3A_50 : vector<512x1xi32>
    %lt3A_52 = arith.constant 64 : i32
    %lt3A_53 = vector.broadcast %lt3A_52 : i32 to vector<512x1xi32>
    %lt3A_54 = arith.cmpi slt, %broadcast_in_dim3A_24, %lt3A_53 : vector<512x1xi32>
    %swap3A_55 = arith.constant 0 : index
    %swap3A_56 = arith.constant 0 : index
    %swap3A_57 = vector.load %arg4[%swap3A_55, %swap3A_56] : memref<512x65xf32, #tpu.memory_space<vmem>>, vector<512x65xf32>
    tpu.vector_store %arg4[%swap3A_55, %swap3A_56], %concatenate3A {strides = array<i32>} : memref<512x65xf32, #tpu.memory_space<vmem>>, vector<512x65xf32>,
    %swap3A_58 = arith.constant 0 : index
    %swap3A_59 = arith.constant 0 : index
    %swap3A_60 = vector.load %arg5[%swap3A_58, %swap3A_59] : memref<512x1xi32, #tpu.memory_space<vmem>>, vector<512x1xi32>
    tpu.vector_store %arg5[%swap3A_58, %swap3A_59], %broadcast_in_dim3A_24 {strides = array<i32>} : memref<512x1xi32, #tpu.memory_space<vmem>>, vector<512x1xi32>,
    %mul3A_61 = arith.constant 96 : i32
    %mul3A_62 = vector.broadcast %mul3A_61 : i32 to vector<512x1xi32>
    %mul3A_63 = arith.muli %broadcast_in_dim3A_24, %mul3A_62 : vector<512x1xi32>
    %add3A_64 = arith.addi %mul3A_63, %min3A_51 : vector<512x1xi32>
    %jit3A_65 = arith.constant 6144 : i32
    %broadcast_in_dim3A_66 = vector.broadcast %jit3A_65 : i32 to vector<512x1xi32>
    %select_n3A_67 = arith.select %lt3A_54, %add3A_64, %broadcast_in_dim3A_66 : vector<512x1xi1>, vector<512x1xi32>
    %swap3A_68 = arith.constant 0 : index
    %swap3A_69 = arith.constant 0 : index
    %swap3A_70 = vector.load %arg6[%swap3A_68, %swap3A_69] : memref<512x1xi32, #tpu.memory_space<vmem>>, vector<512x1xi32>
    tpu.vector_store %arg6[%swap3A_68, %swap3A_69], %select_n3A_67 {strides = array<i32>} : memref<512x1xi32, #tpu.memory_space<vmem>>, vector<512x1xi32>,
    %jit3A_71 = arith.constant 0.000000e+00 : f32
    %broadcast_in_dim3A_72 = vector.broadcast %jit3A_71 : f32 to vector<512x1xf32>
    %select_n3A_73 = arith.select %lt3A_54, %div3A_19, %broadcast_in_dim3A_72 : vector<512x1xi1>, vector<512x1xf32>
    %broadcast_in_dim3A_74 = vector.shape_cast %select_n3A_73 : vector<512x1xf32> to vector<512x1xf32>
    %broadcast_in_dim3A_75 = vector.broadcast %broadcast_in_dim3A_74 : vector<512x1xf32> to vector<512x128xf32>
    %swap3A_76 = arith.constant 0 : index
    %swap3A_77 = arith.constant 0 : index
    %swap3A_78 = vector.load %arg7[%swap3A_76, %swap3A_77] : memref<512x128xf32, #tpu.memory_space<vmem>>, vector<512x128xf32>
    tpu.vector_store %arg7[%swap3A_76, %swap3A_77], %broadcast_in_dim3A_75 {strides = array<i32>} : memref<512x128xf32, #tpu.memory_space<vmem>>, vector<512x128xf32>,
    return
  }
  func.func @transform_0(%arg0: i32) -> (i32, i32) {
    %c0_i32 = arith.constant 0 : i32
    %c0_i32_0 = arith.constant 0 : i32
    return %arg0, %c0_i32 : i32, i32
  }
  func.func @transform_1(%arg0: i32) -> (i32, i32) {
    %c0_i32 = arith.constant 0 : i32
    %c0_i32_0 = arith.constant 0 : i32
    %c0_i32_1 = arith.constant 0 : i32
    return %c0_i32, %c0_i32_0 : i32, i32
  }
  func.func @transform_2(%arg0: i32) -> (i32, i32) {
    %c0_i32 = arith.constant 0 : i32
    %c0_i32_0 = arith.constant 0 : i32
    %c0_i32_1 = arith.constant 0 : i32
    return %c0_i32, %c0_i32_0 : i32, i32
  }
  func.func @transform_3(%arg0: i32) -> (i32, i32) {
    %c0_i32 = arith.constant 0 : i32
    %c0_i32_0 = arith.constant 0 : i32
    return %arg0, %c0_i32 : i32, i32
  }
  func.func @transform_4(%arg0: i32) -> (i32, i32) {
    %c0_i32 = arith.constant 0 : i32
    %c0_i32_0 = arith.constant 0 : i32
    return %arg0, %c0_i32 : i32, i32
  }
  func.func @transform_5(%arg0: i32) -> (i32, i32) {
    %c0_i32 = arith.constant 0 : i32
    %c0_i32_0 = arith.constant 0 : i32
    return %arg0, %c0_i32 : i32, i32
  }
  func.func @transform_6(%arg0: i32) -> (i32, i32) {
    %c0_i32 = arith.constant 0 : i32
    %c0_i32_0 = arith.constant 0 : i32
    return %arg0, %c0_i32 : i32, i32
  }
}

module attributes {stable_mosaic.version = 14 : i64} {
  func.func @_ffn_body(%arg0: i32, %arg1: memref<96x768xf32, #tpu.memory_space<vmem>>, %arg2: memref<96x128xf32, #tpu.memory_space<vmem>>, %arg3: memref<1x768x1024xf32, #tpu.memory_space<vmem>>, %arg4: memref<1x1x1024xf32, #tpu.memory_space<vmem>>, %arg5: memref<1x1024x768xf32, #tpu.memory_space<vmem>>, %arg6: memref<1x1x768xf32, #tpu.memory_space<vmem>>, %arg7: memref<96x768xf32, #tpu.memory_space<vmem>>) attributes {dimension_semantics = [#tpu.dimension_semantics<arbitrary>], iteration_bounds = array<i64: 66>, scalar_prefetch = 0 : i64, scratch_operands = 0 : i64, tpu.core_type = #tpu.core_type<tc>, window_params = [{transform_indices = @transform_0, window_bounds = array<i64: 96, 768>}, {transform_indices = @transform_1, window_bounds = array<i64: 96, 128>}, {transform_indices = @transform_2, window_bounds = array<i64: 1, 768, 1024>}, {transform_indices = @transform_3, window_bounds = array<i64: 1, 1, 1024>}, {transform_indices = @transform_4, window_bounds = array<i64: 1, 1024, 768>}, {transform_indices = @transform_5, window_bounds = array<i64: 1, 1, 768>}, {transform_indices = @transform_6, window_bounds = array<i64: 96, 768>}]} {
    %get3A = arith.constant 0 : index
    %get3A_0 = arith.constant 0 : index
    %get3A_1 = vector.load %arg1[%get3A, %get3A_0] : memref<96x768xf32, #tpu.memory_space<vmem>>, vector<96x768xf32>
    %get3A_2 = arith.constant 0 : index
    %get3A_3 = arith.constant 0 : index
    %get3A_4 = arith.constant 0 : index
    %get3A_5 = vector.load %arg3[%get3A_2, %get3A_3, %get3A_4] : memref<1x768x1024xf32, #tpu.memory_space<vmem>>, vector<1x768x1024xf32>
    %get3A_6 = vector.shape_cast %get3A_5 : vector<1x768x1024xf32> to vector<768x1024xf32>
    %dot_general3A = arith.constant dense<0.000000e+00> : vector<96x1024xf32>
    %dot_general3A_7 = tpu.matmul %get3A_1, %get3A_6, %dot_general3A {dimension_numbers = #tpu.dot_dimension_numbers<[1], [0], [0], [1], [0, 0, 1, 1], [], []>, transpose_lhs_hint = false} : vector<96x768xf32>, vector<768x1024xf32>, vector<96x1024xf32> -> vector<96x1024xf32>
    %get3A_8 = arith.constant 0 : index
    %get3A_9 = arith.constant 0 : index
    %get3A_10 = arith.constant 0 : index
    %get3A_11 = vector.load %arg4[%get3A_8, %get3A_9, %get3A_10] : memref<1x1x1024xf32, #tpu.memory_space<vmem>>, vector<1x1x1024xf32>
    %get3A_12 = vector.shape_cast %get3A_11 : vector<1x1x1024xf32> to vector<1x1024xf32>
    %add3A = vector.broadcast %get3A_12 : vector<1x1024xf32> to vector<96x1024xf32>
    %add3A_13 = arith.addf %dot_general3A_7, %add3A : vector<96x1024xf32>
    %integer_pow3A = arith.mulf %add3A_13, %add3A_13 : vector<96x1024xf32>
    %integer_pow3A_14 = arith.mulf %add3A_13, %integer_pow3A : vector<96x1024xf32>
    %mul3A = arith.constant 4.471500e-02 : f32
    %mul3A_15 = vector.broadcast %mul3A : f32 to vector<96x1024xf32>
    %mul3A_16 = arith.mulf %mul3A_15, %integer_pow3A_14 : vector<96x1024xf32>
    %add3A_17 = arith.addf %add3A_13, %mul3A_16 : vector<96x1024xf32>
    %mul3A_18 = arith.constant 0.797884583 : f32
    %mul3A_19 = vector.broadcast %mul3A_18 : f32 to vector<96x1024xf32>
    %mul3A_20 = arith.mulf %mul3A_19, %add3A_17 : vector<96x1024xf32>
    %tanh3A = math.tanh %mul3A_20 : vector<96x1024xf32>
    %add3A_21 = arith.constant 1.000000e+00 : f32
    %add3A_22 = vector.broadcast %add3A_21 : f32 to vector<96x1024xf32>
    %add3A_23 = arith.addf %add3A_22, %tanh3A : vector<96x1024xf32>
    %mul3A_24 = arith.constant 5.000000e-01 : f32
    %mul3A_25 = vector.broadcast %mul3A_24 : f32 to vector<96x1024xf32>
    %mul3A_26 = arith.mulf %mul3A_25, %add3A_23 : vector<96x1024xf32>
    %mul3A_27 = arith.mulf %add3A_13, %mul3A_26 : vector<96x1024xf32>
    %get3A_28 = arith.constant 0 : index
    %get3A_29 = arith.constant 0 : index
    %get3A_30 = arith.constant 0 : index
    %get3A_31 = vector.load %arg5[%get3A_28, %get3A_29, %get3A_30] : memref<1x1024x768xf32, #tpu.memory_space<vmem>>, vector<1x1024x768xf32>
    %get3A_32 = vector.shape_cast %get3A_31 : vector<1x1024x768xf32> to vector<1024x768xf32>
    %dot_general3A_33 = arith.constant dense<0.000000e+00> : vector<96x768xf32>
    %dot_general3A_34 = tpu.matmul %mul3A_27, %get3A_32, %dot_general3A_33 {dimension_numbers = #tpu.dot_dimension_numbers<[1], [0], [0], [1], [0, 0, 1, 1], [], []>, transpose_lhs_hint = false} : vector<96x1024xf32>, vector<1024x768xf32>, vector<96x768xf32> -> vector<96x768xf32>
    %get3A_35 = arith.constant 0 : index
    %get3A_36 = arith.constant 0 : index
    %get3A_37 = arith.constant 0 : index
    %get3A_38 = vector.load %arg6[%get3A_35, %get3A_36, %get3A_37] : memref<1x1x768xf32, #tpu.memory_space<vmem>>, vector<1x1x768xf32>
    %get3A_39 = vector.shape_cast %get3A_38 : vector<1x1x768xf32> to vector<1x768xf32>
    %add3A_40 = vector.broadcast %get3A_39 : vector<1x768xf32> to vector<96x768xf32>
    %add3A_41 = arith.addf %dot_general3A_34, %add3A_40 : vector<96x768xf32>
    %get3A_42 = arith.constant 0 : index
    %get3A_43 = arith.constant 0 : index
    %get3A_44 = vector.load %arg2[%get3A_42, %get3A_43] : memref<96x128xf32, #tpu.memory_space<vmem>>, vector<96x1xf32>
    %mul3A_45 = vector.broadcast %get3A_44 : vector<96x1xf32> to vector<96x768xf32>
    %mul3A_46 = arith.mulf %add3A_41, %mul3A_45 : vector<96x768xf32>
    %swap3A = arith.constant 0 : index
    %swap3A_47 = arith.constant 0 : index
    %swap3A_48 = vector.load %arg7[%swap3A, %swap3A_47] : memref<96x768xf32, #tpu.memory_space<vmem>>, vector<96x768xf32>
    tpu.vector_store %arg7[%swap3A, %swap3A_47], %mul3A_46 {strides = array<i32>} : memref<96x768xf32, #tpu.memory_space<vmem>>, vector<96x768xf32>,
    return
  }
  func.func @transform_0(%arg0: i32) -> (i32, i32) {
    %c0_i32 = arith.constant 0 : i32
    %c0_i32_0 = arith.constant 0 : i32
    return %arg0, %c0_i32 : i32, i32
  }
  func.func @transform_1(%arg0: i32) -> (i32, i32) {
    %c0_i32 = arith.constant 0 : i32
    %c0_i32_0 = arith.constant 0 : i32
    return %arg0, %c0_i32 : i32, i32
  }
  func.func @transform_2(%arg0: i32) -> (i32, i32, i32) {
    %min3A = arith.constant 63 : i32
    %min3A_0 = arith.minsi %arg0, %min3A : i32
    %c0_i32 = arith.constant 0 : i32
    %c0_i32_1 = arith.constant 0 : i32
    %c0_i32_2 = arith.constant 0 : i32
    return %min3A_0, %c0_i32, %c0_i32_1 : i32, i32, i32
  }
  func.func @transform_3(%arg0: i32) -> (i32, i32, i32) {
    %min3A = arith.constant 63 : i32
    %min3A_0 = arith.minsi %arg0, %min3A : i32
    %c0_i32 = arith.constant 0 : i32
    %c0_i32_1 = arith.constant 0 : i32
    %c0_i32_2 = arith.constant 0 : i32
    return %min3A_0, %c0_i32, %c0_i32_1 : i32, i32, i32
  }
  func.func @transform_4(%arg0: i32) -> (i32, i32, i32) {
    %min3A = arith.constant 63 : i32
    %min3A_0 = arith.minsi %arg0, %min3A : i32
    %c0_i32 = arith.constant 0 : i32
    %c0_i32_1 = arith.constant 0 : i32
    %c0_i32_2 = arith.constant 0 : i32
    return %min3A_0, %c0_i32, %c0_i32_1 : i32, i32, i32
  }
  func.func @transform_5(%arg0: i32) -> (i32, i32, i32) {
    %min3A = arith.constant 63 : i32
    %min3A_0 = arith.minsi %arg0, %min3A : i32
    %c0_i32 = arith.constant 0 : i32
    %c0_i32_1 = arith.constant 0 : i32
    %c0_i32_2 = arith.constant 0 : i32
    return %min3A_0, %c0_i32, %c0_i32_1 : i32, i32, i32
  }
  func.func @transform_6(%arg0: i32) -> (i32, i32) {
    %c0_i32 = arith.constant 0 : i32
    %c0_i32_0 = arith.constant 0 : i32
    return %arg0, %c0_i32 : i32, i32
  }
}

</mosaic_0001>

<sc_bundles>
// kernel: kernel.6.cloned.1.call-start
scs
__scs_entry_jumppad:
0x0: {  	(pc) =	sbr.rel $0x88, $3  }
0x1: {  	(tag) =	ssettag $0x0;
	lr =	simm.s32 $0x1  }
0x2: {  	[smem:$0x3F9A] =	sst lr;
	_ =	strace $0xD0000000  }
0x3: {  	_ = 	snop  }
0x4: {  	_ = 	snop  }
0x5: {  	_ = 	snop  }
0x6: {  	_ = 	snop  }
0x7: {  	_ = 	snop  }
__scs_overlays_trampoline_lowered:
0x8: {  	[smem:$0x3FA9] =	sst s0  }
0x9: {  	[smem:$0x3FAA] =	sst s1  }
0xa: {  	[smem:$0x3FAB] =	sst s2  }
0xb: {  	[smem:$0x3FAC] =	sst s3  }
0xc: {  	[smem:$0x3FAD] =	sst s4  }
0xd: {  	[smem:$0x3FAE] =	sst s5  }
0xe: {  	[smem:$0x3FAF] =	sst s6  }
0xf: {  	[smem:$0x3FB0] =	sst s7  }
0x10: {  	[smem:$0x3FB1] =	sst s8  }
0x11: {  	[smem:$0x3FB2] =	sst s9;
	s0 =	simm.s32 @!p0 $0x0  }
0x12: {  	s1 =	sld [smem:$0x3F98];
	s0 =	simm.s32 @p0 $0x1  }
0x13: {  	[smem:$0x3FB3] =	sst s0;
	s0 =	simm.s32 @!p1 $0x0  }
0x14: {  	s2 =	sld [smem:$0x3F97];
	s0 =	simm.s32 @p1 $0x1  }
0x15: {  	[smem:$0x3FB4] =	sst s0;
	s0 =	simm.s32 @!p2 $0x0  }
0x16: {  	s3 =	sld [smem:$0x3FDB];
	s0 =	simm.s32 @p2 $0x1  }
0x17: {  	s4 =	simm.s32 $0x1BF5;
	[smem:$0x3FB6] =	sst s0  }
0x18: {  	s0 =	sld [smem:$0x3F99];
	_ =	swait.ge [sflag:s4], $0x0  }
0x19: {  	s7 =	sld [smem:$0x3F9A]  }
0x1a: {  	s8 =	sadd.s32 $0xFFFFE003, lr  }
0x1b: {  	s9 =	sadd.s32 $0xFFFFFEF7, lr;
	s5 =	simm.s32 $0xFFFFFFFF;
	p2 =	slt.u32 s8, $0xFFFFF086  }
0x1c: {  	p1 =	slt.u32 s9, $0xF7A;
	s5 =	simm.s32 @!p2 $0x0  }
0x1d: {  	s5 =	simm.s32 @p1 $0x1;
	p0 =	seq.s32 s7, s2  }
0x1e: {  	s7 =	smul.u32 @!p0 $0xF7A, s2;
	p2 =	seq.s32 @!p0 s5, $0x0  }
0x1f: {  	s9 =	smul.u32 $0xF7A, s1;
	s8 =	simm.s32 @!p0 $0x1BF5;
	p2 =	por !p2, p0  }
0x20: {  	[sflag:s8] =	ssyncset.s32 @!p0 $0xFFFFF086;
	s6 =	sadd.s32 @!p0 s3, s7;
	s7 =	simm.s32 @!p0 $0x108  }
0x21: {  	s3 =	sadd.s32 s3, s9;
	s6 =	sadd.s32 @!p0 $0x88, s6;
	s7 =	simm.s32 @p2 $0x1082  }
0x22: {  	[simem:s7], [sflag:s8] =	dma.local @!p0 [hbm:s6], $0xF7A  }
0x23: {  	s9 =	sor.u32 $0xD0000000, s2;
	s6 =	simm.s32 $0x108;
	_ =	swait.ge @!p0 [sflag:s8], $0x0  }
0x24: {  	s3 =	sadd.s32 $0x88, s3;
	s6 =	simm.s32 @!p1 $0x1082;
	[sflag:s4] =	ssyncset.s32 $0xFFFFF086  }
0x25: {  	[simem:s6], [sflag:s4] =	dma.local [hbm:s3], $0xF7A  }
0x26: {  	[smem:$0x3F9A] =	sst s1;
	(tag) =	ssettag s2;
	_ =	strace s9  }
0x27: {  	s1 =	sld [smem:$0x3FAA]  }
0x28: {  	s2 =	sld [smem:$0x3FAB]  }
0x29: {  	s4 =	sld [smem:$0x3FAD]  }
0x2a: {  	p0 =	seq.s32 s5, $0x0;
	s5 =	sld [smem:$0x3FAE]  }
0x2b: {  	s6 =	sld [smem:$0x3FAF]  }
0x2c: {  	s7 =	sld [smem:$0x3FB0]  }
0x2d: {  	s3 =	simm.s32 $0x108;
	s8 =	sld [smem:$0x3FB1]  }
0x2e: {  	s3 =	simm.s32 @!p0 $0x1082;
	s9 =	sld [smem:$0x3FB2]  }
0x2f: {  	lr =	sadd.s32 s0, s3;
	s0 =	sld [smem:$0x3FA9]  }
0x30: {  	s3 =	sld [smem:$0x3FAC]  }
0x31: {  	[smem:$0x3FB5] =	sst s10  }
0x32: {  	s10 =	sld [smem:$0x3FB3];
	_ =	sdelay $0x3  }
0x33: {  	p0 =	seq.s32 s10, $0x1;
	s10 =	sld [smem:$0x3FB5];
	_ =	sdelay $0x3  }
0x34: {  	[smem:$0x3FB5] =	sst s10  }
0x35: {  	s10 =	sld [smem:$0x3FB4];
	_ =	sdelay $0x3  }
0x36: {  	p1 =	seq.s32 s10, $0x1;
	s10 =	sld [smem:$0x3FB5];
	_ =	sdelay $0x3  }
0x37: {  	[smem:$0x3FB5] =	sst s10  }
0x38: {  	s10 =	sld [smem:$0x3FB6]  }
0x39: {  	_ = 	snop;
	(pc) =	sbr.ind lr, $3  }
0x3a: {  	_ = 	snop  }
0x3b: {  	_ = 	snop  }
0x3c: {  	p2 =	seq.s32 s10, $0x1;
	s10 =	sld [smem:$0x3FB5]  }
0x3d: {  	_ =	shalt  }
0x3e: {  	_ =	shalt  }
0x3f: {  	_ =	shalt  }
0x40: {  	_ =	shalt  }
0x41: {  	_ =	shalt  }
0x42: {  	_ =	shalt  }
0x43: {  	_ =	shalt  }
0x44: {  	_ =	shalt  }
0x45: {  	_ =	shalt  }
0x46: {  	_ =	shalt  }
0x47: {  	_ =	shalt  }
0x48: {  	_ =	shalt  }
0x49: {  	_ =	shalt  }
0x4a: {  	_ =	shalt  }
0x4b: {  	_ =	shalt  }
0x4c: {  	_ =	shalt  }
0x4d: {  	_ =	shalt  }
0x4e: {  	_ =	shalt  }
0x4f: {  	_ =	shalt  }
0x50: {  	_ =	shalt  }
0x51: {  	_ =	shalt  }
0x52: {  	_ =	shalt  }
0x53: {  	_ =	shalt  }
0x54: {  	_ =	shalt  }
0x55: {  	_ =	shalt  }
0x56: {  	_ =	shalt  }
0x57: {  	_ =	shalt  }
0x58: {  	_ =	shalt  }
0x59: {  	_ =	shalt  }
0x5a: {  	_ =	shalt  }
0x5b: {  	_ =	shalt  }
0x5c: {  	_ =	shalt  }
0x5d: {  	_ =	shalt  }
0x5e: {  	_ =	shalt  }
0x5f: {  	_ =	shalt  }
0x60: {  	_ =	shalt  }
0x61: {  	_ =	shalt  }
0x62: {  	_ =	shalt  }
0x63: {  	_ =	shalt  }
0x64: {  	_ =	shalt  }
0x65: {  	_ =	shalt  }
0x66: {  	_ =	shalt  }
0x67: {  	_ =	shalt  }
0x68: {  	_ =	shalt  }
0x69: {  	_ =	shalt  }
0x6a: {  	_ =	shalt  }
0x6b: {  	_ =	shalt  }
0x6c: {  	_ =	shalt  }
0x6d: {  	_ =	shalt  }
0x6e: {  	_ =	shalt  }
0x6f: {  	_ =	shalt  }
0x70: {  	_ =	shalt  }
0x71: {  	_ =	shalt  }
0x72: {  	_ =	shalt  }
0x73: {  	_ =	shalt  }
0x74: {  	_ =	shalt  }
0x75: {  	_ =	shalt  }
0x76: {  	_ =	shalt  }
0x77: {  	_ =	shalt  }
0x78: {  	_ =	shalt  }
0x79: {  	_ =	shalt  }
0x7a: {  	_ =	shalt  }
0x7b: {  	_ =	shalt  }
0x7c: {  	_ =	shalt  }
0x7d: {  	_ =	shalt  }
0x7e: {  	_ =	shalt  }
0x7f: {  	_ =	shalt  }
0x80: {  	_ =	shalt  }
0x81: {  	_ =	shalt  }
0x82: {  	_ =	shalt  }
0x83: {  	_ =	shalt  }
0x84: {  	_ =	shalt  }
0x85: {  	_ =	shalt  }
0x86: {  	_ =	shalt  }
0x87: {  	_ =	shalt  }
.Lfunc_end0:
.L_simem_size_0:
called_computation_lowered:
.L_overlay_start_0:
0x88: {  	s2 =	sld [smem:$0x3FD9]  }
0x89: {  	s3 =	sld [smem:$0x3FFE];
	_ =	sdelay $0x1  }
0x8a: {  	s1 =	srdreg.scid  }
0x8b: {  	s0 =	sand.u32 $0x1, s1  }
0x8c: {  	s14 =	sshll.u32 s0, $0xA;
	s2 =	sadd.s32 s3, s2  }
0x8d: {  	s2 =	sadd.s32 s2, s14  }
0x8e: {  	[smem:$0x3FC1] =	sst s2  }
0x8f: {  	_ = 	snop  }
0x90: {  	s2 =	sld [smem:$0x3FD0];
	_ =	sdelay $0x2  }
0x91: {  	s4 =	simm.s32 $0xA;
	s5 =	simm.s32 $0x10;
	s15 =	sld [smem:$0x3FC9]  }
0x92: {  	[smem:s5], [sflag:s4] =	dma.local [hbm:s2], $0x1  }
0x93: {  	_ =	swait.eq [sflag:s4], $0x1  }
0x94: {  	[sflag:s4] =	ssyncset.done $0x0  }
0x95: {  	[sflag:s4] =	ssyncadd.s32 $0xFFFFFFFF  }
0x96: {  	s16 =	sld [smem:$0x10];
	(tm) =	ssettm $0x1  }
0x97: {  	s17 =	sld [smem:$0x3FFB];
	_ =	sdelay $0x3  }
0x98: {  	_ =	strace s17  }
0x99: {  	s4 =	sld [smem:$0x3FFC];
	_ =	sdelay $0x3  }
0x9a: {  	_ =	strace s4  }
0x9b: {  	s4 =	sld [smem:$0x3FFD];
	_ =	sdelay $0x3  }
0x9c: {  	_ =	strace s4  }
0x9d: {  	_ =	strace $0x8FFFFFFF  }
0x9e: {  	s18 =	sld [smem:$0x3FDB];
	_ =	sdelay $0x1  }
0x9f: {  	s19 =	simm.s32 $_scs_section_size  }
0xa0: {  	s6 =	simm.s32 $_size__tile_overlayer_lowered;
	s7 =	simm.s32 $_tile_overlayer_lowered  }
0xa1: {  	s22 =	simm.s32 $0x1BFF;
	s21 =	sshll.u32 s7, $0x1;
	s4 =	sadd.s32 s19, s18  }
0xa2: {  	s8 =	simm.s32 $0x0;
	s20 =	sshll.u32 s6, $0x1;
	s6 =	sadd.s32 s21, s4  }
0xa3: {  	[timem:s8], [sflag:s22] =	dma.local [hbm:s6], s20  }
0xa4: {  	_ =	swait.ge [sflag:s22], s20  }
0xa5: {  	s5 =	ssub.s32 $0x0, s20;
	[sflag:s22] =	ssyncset.done $0x0  }
0xa6: {  	[sflag:s22] =	ssyncadd.s32 s5;
	_ =	sdelay $0x1  }
0xa7: {  	s23 =	simm.s32 $0x1B8B  }
0xa8: {  	_ =	swait.ge [sflag:s23], $0x1  }
0xa9: {  	[sflag:s23] =	ssyncset.done $0x0  }
0xaa: {  	s25 =	simm.s32 $0x1B8E;
	s24 =	sld [smem:$0x3FFE];
	[sflag:s23] =	ssyncadd.s32 $0xFFFFFFFF  }
0xab: {  	s26 =	simm.s32 $execute0_lowered;
	[smem:$0x3FD2] =	sst s25  }
0xac: {  	s6 =	sshll.u32 s26, $0x1;
	_ =	strace $0x80000046;
	[dreg:$0x1] =	wrdreg $0xFFFFFFFF  }
0xad: {  	s28 =	simm.s32 $_size_execute0_lowered;
	s4 =	sadd.s32 s4, s6;
	[dreg:$0x0] =	wrdreg $0x0  }
0xae: {  	s6 =	sshll.u32 s28, $0x1;
	[dreg:$0x2] =	wrdreg s4  }
0xaf: {  	[dreg:$0x3] =	wrdreg s6  }
0xb0: {  	[dreg:$0x4] =	wrdreg $0xC0  }
0xb1: {  	_ =	task [dreg:s8], $0x5FFFF  }
0xb2: {  	[dreg:$0x1] =	wrdreg $0xFFFFFFFF  }
0xb3: {  	[dreg:$0x0] =	wrdreg $0x60  }
0xb4: {  	[dreg:$0x2] =	wrdreg s24  }
0xb5: {  	[dreg:$0x3] =	wrdreg s15  }
0xb6: {  	[dreg:$0x4] =	wrdreg s16  }
0xb7: {  	[dreg:$0x5] =	wrdreg $0x9  }
0xb8: {  	_ =	task.clear_ibuf [dreg:s8], $0x6FFFF;
	_ =	strace $0x90000046  }
0xb9: {  	s29 =	simm.s32 $0x9;
	_ =	strace $0x80000048  }
0xba: {  	_ =	swait.ge [sflag:s29], $0x1  }
0xbb: {  	[sflag:s29] =	ssyncadd.s32 $0xFFFFFFFF  }
0xbc: {  	_ =	strace $0x90000048  }
0xbd: {  	_ =	sfence  }
0xbe: {  	s30 =	sld [smem:$0x0];
	_ =	sdelay $0x2  }
0xbf: {  	s31 =	sshll.u32 s1, $0xD;
	s1 =	sshrl.u32 s1, $0x2  }
0xc0: {  	s3 =	sand.u32 $0x4000, s31;
	s1 =	sadd.s32 s1, s30  }
0xc1: {  	s0 =	sor.u32 s3, s0;
	s1 =	sshll.u32 s1, $0x11  }
0xc2: {  	s0 =	sor.u32 s1, s0  }
0xc3: {  	s0 =	sadd.s32 $0x8F2B, s0  }
0xc4: {  	[sflag:s0] =	ssyncadd.remote.s32 $0x1  }
0xc5: {  	_ =	sfence.sel $0xFFFF  }
0xc6: {  	[dreg:$0x0] =	wrdreg $0xFFFFFFFF;
	(pc) =	sbr.abs _section_cstart, $3  }
0xc7: {  	[dreg:$0x1] =	wrdreg $0xFFFFFFFF  }
0xc8: {  	_ =	task.clear_ibuf [dreg:s8], $0x2FFFF;
	_ =	strace $0x9FFFFFFF  }
0xc9: {  	(tm) =	ssettm $0x7FFFFFFF  }
tec
execute0_lowered:
.L_overlay_start_1:
0x0: {  	(tag) =	ssettag $0x1  }
0x1: {  	s0 =	rddreg [dreg:$0x0]  }
0x2: {  	s4 =	rddreg [dreg:$0x1]  }
0x3: {  	s1 =	rddreg [dreg:$0x2];
	s2 =	srdreg.scid  }
0x4: {  	s21 =	stileid.u32;
	s24 =	simm.s32 $0x880;
	s25 =	simm.s32 $0x1080  }
0x5: {  	s26 =	simm.s32 $0x1880;
	s9 =	simm.s32 $0x1;
	s10 =	simm.s32 $0x2  }
0x6: {  	s12 =	simm.s32 $0x2880;
	s13 =	simm.s32 $0x3080;
	s14 =	simm.s32 $0x3880  }
0x7: {  	s15 =	simm.s32 $0x4080;
	s16 =	simm.s32 $0x4880;
	s17 =	simm.s32 $0x5080  }
0x8: {  	s18 =	simm.s32 $0x5880;
	s19 =	simm.s32 $0x6080;
	s20 =	simm.s32 $0x6880  }
0x9: {  	s28 =	simm.s32 $0xA080;
	s29 =	simm.s32 $0xA880;
	s30 =	simm.s32 $0xB080  }
0xa: {  	[dreg:$0x4] =	wrdreg s1;
	s5 =	sand.u32 $0x1, s2;
	s2 =	simm.s32 $0x0  }
0xb: {  	s31 =	simm.s32 $0xB880;
	s3 =	sshll.u32 s21, $0x7;
	[smem:$0x7FF] =	sst s2  }
0xc: {  	s21 =	simm.s32 $0x7080;
	_ =	strace $0x80000047;
	[dreg:$0x8] =	wrdreg s24  }
0xd: {  	s6 =	sshll.u32 s5, $0x6;
	s5 =	ssub.s32 $0x2, s5;
	[dreg:$0x9] =	wrdreg s25  }
0xe: {  	s3 =	sor.u32 s6, s3;
	s22 =	sshrl.u32 s5, $0x1;
	[dreg:$0xa] =	wrdreg s26  }
0xf: {  	s24 =	simm.s32 $0x8880;
	s25 =	simm.s32 $0x9080;
	s6 =	sshrl.u32 s3, $0x3  }
0x10: {  	s26 =	simm.s32 $0x9880;
	s3 =	sshll.u32 s3, $0x4;
	s7 =	sadd.s32 s6, s0  }
0x11: {  	s6 =	smul.u32 $0x300, s6;
	s8 =	sadd.s32 s3, s0;
	s3 =	sadd.s32 $0x1A000, s0  }
0x12: {  	s7 =	sadd.s32 $0x19E00, s7;
	s23 =	sadd.s32 $0x1E00, s8;
	s8 =	simm.s32 $0xC080  }
0x13: {  	[dreg:$0x5] =	wrdreg s7;
	s4 =	sadd.s32 s4, s6;
	s6 =	ssub.s32 s5, s22  }
0x14: {  	v2 =	vlaneseq.u32;
	[dreg:$0x7] =	wrdreg s23;
	s5 =	sadd.s32 $0x1A200, s0;
	s7 =	simm.s32 $0x80  }
0x15: {  	vm0 =	vmmov $0xffff;
	v1 =	vshrl.u32 v2, $0x3;
	s22 =	simm.s32 $0x7880;
	s23 =	simm.s32 $0x8080;
	[dreg:$0x6] =	wrdreg s4  }
0x16: {  	v0 =	vand.u32 $0x7, v2;
	v2 =	vor.u32 $0x8, v2;
	v1 =	vmul.u32 $0x8, v1;
	s4 =	sadd.s32 $0x1A100, s0;
	s6 =	smax.u32 s6, $0x1;
	s0 =	simm.s32 $0x40  }
.LBB2_1:
0x17: {  	s1 =	rddreg [dreg:$0x5]  }
0x18: {  	[tilespmem:s2], [sflag:$0x1] =	stream.linear.gather [hbm4b:s1+s2], $0x40, $0x38;
	[tilespmem:$0xE080] =	vst v63  }
0x19: {  	s11 =	rddreg [dreg:$0x6]  }
0x1a: {  	[tilespmem:s7], [sflag:$0x2] =	stream.linear.gather [hbm4b:s11+s2], $0xC000, $0x38;
	[tilespmem:$0xE080] =	vst v63  }
0x1b: {  	s1 =	rddreg [dreg:$0x7]  }
0x1c: {  	[tilespmem:s8], [sflag:$0x1] =	stream.linear.gather [hbm4b:s1+s2], $0x2000, $0x38;
	[tilespmem:$0xE080] =	vst v63  }
0x1d: {  	_ =	swait.ge [sflag:s9], $0x40  }
0x1e: {  	[sflag:s9] =	ssyncset.done $0x0  }
0x1f: {  	[sflag:s9] =	ssyncadd.s32 $0xFFFFFFC0  }
0x20: {  	_ =	swait.ge [sflag:s10], $0xC000  }
0x21: {  	[sflag:s10] =	ssyncset.done $0x0  }
0x22: {  	[sflag:s10] =	ssyncadd.s32 $0xFFFF4000  }
0x23: {  	_ =	swait.ge [sflag:s9], $0x2000  }
0x24: {  	[sflag:s9] =	ssyncset.done $0x0  }
0x25: {  	[sflag:s9] =	ssyncadd.s32 $0xFFFFE000  }
0x26: {  	v3 =	vld [tilespmem:$0x0];
	_ =	sdelay $0x4  }
0x27: {  	v4 =	vshrl.u32 v3, $0x3  }
0x28: {  	v4 =	vmul.u32 $0x30, v4  }
0x29: {  	v3 =	vand.u32 $0x7, v3  }
0x2a: {  	v3 =	vor.u32 v3, v4  }
0x2b: {  	v4 =	vperm.xlane v3, v0;
	_ =	sdelay $0x1  }
0x2c: {  	v4 =	vadd.s32 v1, v4;
	_ =	sdelay $0x3  }
0x2d: {  	v3 =	vperm.xlane v3, v2  }
0x2e: {  	[hbm4b:s3+s2] =	stream.indirect_vreg.scatter [tilespmem:s7], [sflag:$0x1], $0x80, v4, vm0, $0xb8;
	[tilespmem:$0xE080] =	vst v63  }
0x2f: {  	s1 =	rddreg [dreg:$0x8];
	v3 =	vadd.s32 v1, v3  }
0x30: {  	[hbm4b:s4+s2] =	stream.indirect_vreg.scatter [tilespmem:s1], [sflag:$0x1], $0x80, v4, vm0, $0xb8;
	[tilespmem:$0xE080] =	vst v63  }
0x31: {  	s11 =	rddreg [dreg:$0x9]  }
0x32: {  	[hbm4b:s5+s2] =	stream.indirect_vreg.scatter [tilespmem:s11], [sflag:$0x1], $0x80, v4, vm0, $0xb8;
	[tilespmem:$0xE080] =	vst v63  }
0x33: {  	s1 =	rddreg [dreg:$0xa]  }
0x34: {  	[hbm4b:s3+s2] =	stream.indirect_vreg.scatter [tilespmem:s1], [sflag:$0x1], $0x80, v3, vm0, $0xb8;
	[tilespmem:$0xE080] =	vst v63  }
0x35: {  	s11 =	simm.s32 $0x2080  }
0x36: {  	[hbm4b:s4+s2] =	stream.indirect_vreg.scatter [tilespmem:s11], [sflag:$0x1], $0x80, v3, vm0, $0xb8;
	[tilespmem:$0xE080] =	vst v63  }
0x37: {  	_ = 	snop  }
0x38: {  	[hbm4b:s5+s2] =	stream.indirect_vreg.scatter [tilespmem:s12], [sflag:$0x1], $0x80, v3, vm0, $0xb8;
	[tilespmem:$0xE080] =	vst v63  }
0x39: {  	v3 =	vld [tilespmem:$0x10];
	_ =	sdelay $0x4  }
0x3a: {  	v61 =	vshrl.u32 v3, $0x3  }
0x3b: {  	v4 =	vmul.u32 $0x30, v61  }
0x3c: {  	v3 =	vand.u32 $0x7, v3  }
0x3d: {  	v3 =	vor.u32 v3, v4  }
0x3e: {  	v4 =	vperm.xlane v3, v0;
	_ =	sdelay $0x1  }
0x3f: {  	v4 =	vadd.s32 v1, v4;
	_ =	sdelay $0x3  }
0x40: {  	v3 =	vperm.xlane v3, v2  }
0x41: {  	[hbm4b:s3+s2] =	stream.indirect_vreg.scatter [tilespmem:s13], [sflag:$0x1], $0x80, v4, vm0, $0xb8;
	[tilespmem:$0xE080] =	vst v63  }
0x42: {  	v3 =	vadd.s32 v1, v3  }
0x43: {  	[hbm4b:s4+s2] =	stream.indirect_vreg.scatter [tilespmem:s14], [sflag:$0x1], $0x80, v4, vm0, $0xb8;
	[tilespmem:$0xE080] =	vst v63  }
0x44: {  	_ = 	snop  }
0x45: {  	[hbm4b:s5+s2] =	stream.indirect_vreg.scatter [tilespmem:s15], [sflag:$0x1], $0x80, v4, vm0, $0xb8;
	[tilespmem:$0xE080] =	vst v63  }
0x46: {  	_ = 	snop  }
0x47: {  	[hbm4b:s3+s2] =	stream.indirect_vreg.scatter [tilespmem:s16], [sflag:$0x1], $0x80, v3, vm0, $0xb8;
	[tilespmem:$0xE080] =	vst v63  }
0x48: {  	_ = 	snop  }
0x49: {  	[hbm4b:s4+s2] =	stream.indirect_vreg.scatter [tilespmem:s17], [sflag:$0x1], $0x80, v3, vm0, $0xb8;
	[tilespmem:$0xE080] =	vst v63  }
0x4a: {  	_ = 	snop  }
0x4b: {  	[hbm4b:s5+s2] =	stream.indirect_vreg.scatter [tilespmem:s18], [sflag:$0x1], $0x80, v3, vm0, $0xb8;
	[tilespmem:$0xE080] =	vst v63  }
0x4c: {  	v3 =	vld [tilespmem:$0x20];
	_ =	sdelay $0x4  }
0x4d: {  	v62 =	vshrl.u32 v3, $0x3  }
0x4e: {  	v4 =	vmul.u32 $0x30, v62  }
0x4f: {  	v3 =	vand.u32 $0x7, v3  }
0x50: {  	v3 =	vor.u32 v3, v4  }
0x51: {  	v4 =	vperm.xlane v3, v0;
	_ =	sdelay $0x1  }
0x52: {  	v4 =	vadd.s32 v1, v4;
	_ =	sdelay $0x3  }
0x53: {  	v3 =	vperm.xlane v3, v2  }
0x54: {  	[hbm4b:s3+s2] =	stream.indirect_vreg.scatter [tilespmem:s19], [sflag:$0x1], $0x80, v4, vm0, $0xb8;
	[tilespmem:$0xE080] =	vst v63  }
0x55: {  	v3 =	vadd.s32 v1, v3  }
0x56: {  	[hbm4b:s4+s2] =	stream.indirect_vreg.scatter [tilespmem:s20], [sflag:$0x1], $0x80, v4, vm0, $0xb8;
	[tilespmem:$0xE080] =	vst v63  }
0x57: {  	_ = 	snop  }
0x58: {  	[hbm4b:s5+s2] =	stream.indirect_vreg.scatter [tilespmem:s21], [sflag:$0x1], $0x80, v4, vm0, $0xb8;
	[tilespmem:$0xE080] =	vst v63  }
0x59: {  	_ = 	snop  }
0x5a: {  	[hbm4b:s3+s2] =	stream.indirect_vreg.scatter [tilespmem:s22], [sflag:$0x1], $0x80, v3, vm0, $0xb8;
	[tilespmem:$0xE080] =	vst v63  }
0x5b: {  	_ = 	snop  }
0x5c: {  	[hbm4b:s4+s2] =	stream.indirect_vreg.scatter [tilespmem:s23], [sflag:$0x1], $0x80, v3, vm0, $0xb8;
	[tilespmem:$0xE080] =	vst v63  }
0x5d: {  	_ = 	snop  }
0x5e: {  	[hbm4b:s5+s2] =	stream.indirect_vreg.scatter [tilespmem:s24], [sflag:$0x1], $0x80, v3, vm0, $0xb8;
	[tilespmem:$0xE080] =	vst v63  }
0x5f: {  	v3 =	vld [tilespmem:$0x30];
	_ =	sdelay $0x4  }
0x60: {  	v63 =	vshrl.u32 v3, $0x3  }
0x61: {  	v4 =	vmul.u32 $0x30, v63  }
0x62: {  	v3 =	vand.u32 $0x7, v3  }
0x63: {  	v3 =	vor.u32 v3, v4  }
0x64: {  	v4 =	vperm.xlane v3, v0;
	_ =	sdelay $0x1  }
0x65: {  	v4 =	vadd.s32 v1, v4;
	_ =	sdelay $0x3  }
0x66: {  	v3 =	vperm.xlane v3, v2  }
0x67: {  	[hbm4b:s3+s2] =	stream.indirect_vreg.scatter [tilespmem:s25], [sflag:$0x1], $0x80, v4, vm0, $0xb8;
	[tilespmem:$0xE080] =	vst v63  }
0x68: {  	v3 =	vadd.s32 v1, v3  }
0x69: {  	[hbm4b:s4+s2] =	stream.indirect_vreg.scatter [tilespmem:s26], [sflag:$0x1], $0x80, v4, vm0, $0xb8;
	[tilespmem:$0xE080] =	vst v63  }
0x6a: {  	_ = 	snop  }
0x6b: {  	[hbm4b:s5+s2] =	stream.indirect_vreg.scatter [tilespmem:s28], [sflag:$0x1], $0x80, v4, vm0, $0xb8;
	[tilespmem:$0xE080] =	vst v63  }
0x6c: {  	_ = 	snop  }
0x6d: {  	[hbm4b:s3+s2] =	stream.indirect_vreg.scatter [tilespmem:s29], [sflag:$0x1], $0x80, v3, vm0, $0xb8;
	[tilespmem:$0xE080] =	vst v63  }
0x6e: {  	_ = 	snop  }
0x6f: {  	[hbm4b:s4+s2] =	stream.indirect_vreg.scatter [tilespmem:s30], [sflag:$0x1], $0x80, v3, vm0, $0xb8;
	[tilespmem:$0xE080] =	vst v63  }
0x70: {  	_ = 	snop  }
0x71: {  	[hbm4b:s5+s2] =	stream.indirect_vreg.scatter [tilespmem:s31], [sflag:$0x1], $0x80, v3, vm0, $0xb8;
	[tilespmem:$0xE080] =	vst v63  }
0x72: {  	s11 =	rddreg [dreg:$0x4]  }
0x73: {  	[hbm4b:s11+s0] =	stream.indirect.scatter [tilespmem:s8], [sflag:$0x2], $0x80, s2, s0, $0xb8;
	[tilespmem:$0xE080] =	vst v63  }
0x74: {  	p0 =	sne.s32 s6, $0x1;
	_ =	swait.ge [sflag:s9], $0xC000  }
.Ltmp0:
0x75: {  	[sflag:s9] =	ssyncset.done $0x0;
	(pc) =	sbr.rel @p0 .LBB2_1-.Ltmp0, $4  }
0x76: {  	[sflag:s9] =	ssyncadd.s32 $0xFFFF4000  }
0x77: {  	_ =	swait.ge [sflag:s10], $0x2000  }
0x78: {  	[sflag:s10] =	ssyncset.done $0x0  }
0x79: {  	s6 =	sadd.s32 $0xFFFFFFFF, s6;
	[sflag:s10] =	ssyncadd.s32 $0xFFFFE000  }
0x7a: {  	_ =	sfence.sel $0x180000  }
0x7b: {  	[bflag:$0x0] =	sbarrier.arrive $0xFFFF  }
0x7c: {  	_ =	strace $0x90000047  }
0x7d: {  	s0 =	stileid.u32;
	[bflag:$0x2] =	sbarrier.arrive $0xFFFF  }
0x7e: {  	p0 =	sne.s32 s0, $0x0;
	s0 =	rddreg [dreg:$0x3]  }
0x7f: {  	s0 =	sadd.s32 @!p0 $0x100000, s0  }
0x80: {  	[sflag:s0] =	ssyncadd.tile.s32 @!p0 $0x1;
	_ =	shalt  }
.Lfunc_end2:
_tile_overlayer_lowered:
.L_overlay_start_2:
0x81: {  	(tag) =	ssettag $0x2  }
0x82: {  	s0 =	rddreg [dreg:$0x0];
	s2 =	stileid.u32  }
0x83: {  	s1 =	rddreg [dreg:$0x1];
	p0 =	sne.s32 s2, $0x0  }
0x84: {  	s3 =	rddreg [dreg:$0x2];
	[bflag:$0x3] =	sbarrier.arrive $0xFFFF;
	s2 =	simm.s32 @!p0 $0x1C03  }
0x85: {  	[timem:s3], [sflag:s2] =	dma.local @!p0 [hbm:s0], s1  }
0x86: {  	s0 =	simm.s32 @!p0 $0x3  }
0x87: {  	_ =	swait.ge @!p0 [sflag:s0], s1  }
0x88: {  	s1 =	ssub.s32 @!p0 $0x0, s1;
	[sflag:s0] =	ssyncset.done @!p0 $0x0  }
0x89: {  	[sflag:s0] =	ssyncadd.s32 @!p0 s1  }
0x8a: {  	[bflag:$0x3] =	sbarrier.arrive $0xFFFF  }
0x8b: {  	_ =	shalt  }

// kernel: kernel.9.cloned.1.call-start
scs
__scs_entry_jumppad:
0x0: {  	(pc) =	sbr.rel $0x88, $3  }
0x1: {  	(tag) =	ssettag $0x0;
	lr =	simm.s32 $0x1  }
0x2: {  	[smem:$0x3F9A] =	sst lr;
	_ =	strace $0xD0000000  }
0x3: {  	_ = 	snop  }
0x4: {  	_ = 	snop  }
0x5: {  	_ = 	snop  }
0x6: {  	_ = 	snop  }
0x7: {  	_ = 	snop  }
__scs_overlays_trampoline_lowered:
0x8: {  	[smem:$0x3FA9] =	sst s0  }
0x9: {  	[smem:$0x3FAA] =	sst s1  }
0xa: {  	[smem:$0x3FAB] =	sst s2  }
0xb: {  	[smem:$0x3FAC] =	sst s3  }
0xc: {  	[smem:$0x3FAD] =	sst s4  }
0xd: {  	[smem:$0x3FAE] =	sst s5  }
0xe: {  	[smem:$0x3FAF] =	sst s6  }
0xf: {  	[smem:$0x3FB0] =	sst s7  }
0x10: {  	[smem:$0x3FB1] =	sst s8  }
0x11: {  	[smem:$0x3FB2] =	sst s9;
	s0 =	simm.s32 @!p0 $0x0  }
0x12: {  	s1 =	sld [smem:$0x3F98];
	s0 =	simm.s32 @p0 $0x1  }
0x13: {  	[smem:$0x3FB3] =	sst s0;
	s0 =	simm.s32 @!p1 $0x0  }
0x14: {  	s2 =	sld [smem:$0x3F97];
	s0 =	simm.s32 @p1 $0x1  }
0x15: {  	[smem:$0x3FB4] =	sst s0;
	s0 =	simm.s32 @!p2 $0x0  }
0x16: {  	s3 =	sld [smem:$0x3FDB];
	s0 =	simm.s32 @p2 $0x1  }
0x17: {  	s4 =	simm.s32 $0x1BF5;
	[smem:$0x3FB6] =	sst s0  }
0x18: {  	s0 =	sld [smem:$0x3F99];
	_ =	swait.ge [sflag:s4], $0x0  }
0x19: {  	s7 =	sld [smem:$0x3F9A]  }
0x1a: {  	s8 =	sadd.s32 $0xFFFFE003, lr  }
0x1b: {  	s9 =	sadd.s32 $0xFFFFFEF7, lr;
	s5 =	simm.s32 $0xFFFFFFFF;
	p2 =	slt.u32 s8, $0xFFFFF086  }
0x1c: {  	p1 =	slt.u32 s9, $0xF7A;
	s5 =	simm.s32 @!p2 $0x0  }
0x1d: {  	s5 =	simm.s32 @p1 $0x1;
	p0 =	seq.s32 s7, s2  }
0x1e: {  	s7 =	smul.u32 @!p0 $0xF7A, s2;
	p2 =	seq.s32 @!p0 s5, $0x0  }
0x1f: {  	s9 =	smul.u32 $0xF7A, s1;
	s8 =	simm.s32 @!p0 $0x1BF5;
	p2 =	por !p2, p0  }
0x20: {  	[sflag:s8] =	ssyncset.s32 @!p0 $0xFFFFF086;
	s6 =	sadd.s32 @!p0 s3, s7;
	s7 =	simm.s32 @!p0 $0x108  }
0x21: {  	s3 =	sadd.s32 s3, s9;
	s6 =	sadd.s32 @!p0 $0x88, s6;
	s7 =	simm.s32 @p2 $0x1082  }
0x22: {  	[simem:s7], [sflag:s8] =	dma.local @!p0 [hbm:s6], $0xF7A  }
0x23: {  	s9 =	sor.u32 $0xD0000000, s2;
	s6 =	simm.s32 $0x108;
	_ =	swait.ge @!p0 [sflag:s8], $0x0  }
0x24: {  	s3 =	sadd.s32 $0x88, s3;
	s6 =	simm.s32 @!p1 $0x1082;
	[sflag:s4] =	ssyncset.s32 $0xFFFFF086  }
0x25: {  	[simem:s6], [sflag:s4] =	dma.local [hbm:s3], $0xF7A  }
0x26: {  	[smem:$0x3F9A] =	sst s1;
	(tag) =	ssettag s2;
	_ =	strace s9  }
0x27: {  	s1 =	sld [smem:$0x3FAA]  }
0x28: {  	s2 =	sld [smem:$0x3FAB]  }
0x29: {  	s4 =	sld [smem:$0x3FAD]  }
0x2a: {  	p0 =	seq.s32 s5, $0x0;
	s5 =	sld [smem:$0x3FAE]  }
0x2b: {  	s6 =	sld [smem:$0x3FAF]  }
0x2c: {  	s7 =	sld [smem:$0x3FB0]  }
0x2d: {  	s3 =	simm.s32 $0x108;
	s8 =	sld [smem:$0x3FB1]  }
0x2e: {  	s3 =	simm.s32 @!p0 $0x1082;
	s9 =	sld [smem:$0x3FB2]  }
0x2f: {  	lr =	sadd.s32 s0, s3;
	s0 =	sld [smem:$0x3FA9]  }
0x30: {  	s3 =	sld [smem:$0x3FAC]  }
0x31: {  	[smem:$0x3FB5] =	sst s10  }
0x32: {  	s10 =	sld [smem:$0x3FB3];
	_ =	sdelay $0x3  }
0x33: {  	p0 =	seq.s32 s10, $0x1;
	s10 =	sld [smem:$0x3FB5];
	_ =	sdelay $0x3  }
0x34: {  	[smem:$0x3FB5] =	sst s10  }
0x35: {  	s10 =	sld [smem:$0x3FB4];
	_ =	sdelay $0x3  }
0x36: {  	p1 =	seq.s32 s10, $0x1;
	s10 =	sld [smem:$0x3FB5];
	_ =	sdelay $0x3  }
0x37: {  	[smem:$0x3FB5] =	sst s10  }
0x38: {  	s10 =	sld [smem:$0x3FB6]  }
0x39: {  	_ = 	snop;
	(pc) =	sbr.ind lr, $3  }
0x3a: {  	_ = 	snop  }
0x3b: {  	_ = 	snop  }
0x3c: {  	p2 =	seq.s32 s10, $0x1;
	s10 =	sld [smem:$0x3FB5]  }
0x3d: {  	_ =	shalt  }
0x3e: {  	_ =	shalt  }
0x3f: {  	_ =	shalt  }
0x40: {  	_ =	shalt  }
0x41: {  	_ =	shalt  }
0x42: {  	_ =	shalt  }
0x43: {  	_ =	shalt  }
0x44: {  	_ =	shalt  }
0x45: {  	_ =	shalt  }
0x46: {  	_ =	shalt  }
0x47: {  	_ =	shalt  }
0x48: {  	_ =	shalt  }
0x49: {  	_ =	shalt  }
0x4a: {  	_ =	shalt  }
0x4b: {  	_ =	shalt  }
0x4c: {  	_ =	shalt  }
0x4d: {  	_ =	shalt  }
0x4e: {  	_ =	shalt  }
0x4f: {  	_ =	shalt  }
0x50: {  	_ =	shalt  }
0x51: {  	_ =	shalt  }
0x52: {  	_ =	shalt  }
0x53: {  	_ =	shalt  }
0x54: {  	_ =	shalt  }
0x55: {  	_ =	shalt  }
0x56: {  	_ =	shalt  }
0x57: {  	_ =	shalt  }
0x58: {  	_ =	shalt  }
0x59: {  	_ =	shalt  }
0x5a: {  	_ =	shalt  }
0x5b: {  	_ =	shalt  }
0x5c: {  	_ =	shalt  }
0x5d: {  	_ =	shalt  }
0x5e: {  	_ =	shalt  }
0x5f: {  	_ =	shalt  }
0x60: {  	_ =	shalt  }
0x61: {  	_ =	shalt  }
0x62: {  	_ =	shalt  }
0x63: {  	_ =	shalt  }
0x64: {  	_ =	shalt  }
0x65: {  	_ =	shalt  }
0x66: {  	_ =	shalt  }
0x67: {  	_ =	shalt  }
0x68: {  	_ =	shalt  }
0x69: {  	_ =	shalt  }
0x6a: {  	_ =	shalt  }
0x6b: {  	_ =	shalt  }
0x6c: {  	_ =	shalt  }
0x6d: {  	_ =	shalt  }
0x6e: {  	_ =	shalt  }
0x6f: {  	_ =	shalt  }
0x70: {  	_ =	shalt  }
0x71: {  	_ =	shalt  }
0x72: {  	_ =	shalt  }
0x73: {  	_ =	shalt  }
0x74: {  	_ =	shalt  }
0x75: {  	_ =	shalt  }
0x76: {  	_ =	shalt  }
0x77: {  	_ =	shalt  }
0x78: {  	_ =	shalt  }
0x79: {  	_ =	shalt  }
0x7a: {  	_ =	shalt  }
0x7b: {  	_ =	shalt  }
0x7c: {  	_ =	shalt  }
0x7d: {  	_ =	shalt  }
0x7e: {  	_ =	shalt  }
0x7f: {  	_ =	shalt  }
0x80: {  	_ =	shalt  }
0x81: {  	_ =	shalt  }
0x82: {  	_ =	shalt  }
0x83: {  	_ =	shalt  }
0x84: {  	_ =	shalt  }
0x85: {  	_ =	shalt  }
0x86: {  	_ =	shalt  }
0x87: {  	_ =	shalt  }
.Lfunc_end0:
.L_simem_size_0:
called_computation.1_lowered:
.L_overlay_start_0:
0x88: {  	s2 =	sld [smem:$0x3FD9]  }
0x89: {  	s3 =	sld [smem:$0x3FFE];
	_ =	sdelay $0x1  }
0x8a: {  	s1 =	srdreg.scid  }
0x8b: {  	s0 =	sand.u32 $0x1, s1  }
0x8c: {  	s14 =	sshll.u32 s0, $0xA;
	s2 =	sadd.s32 s3, s2  }
0x8d: {  	s2 =	sadd.s32 s2, s14  }
0x8e: {  	[smem:$0x3FC1] =	sst s2  }
0x8f: {  	_ = 	snop  }
0x90: {  	s2 =	sld [smem:$0x3FD0];
	_ =	sdelay $0x2  }
0x91: {  	s15 =	simm.s32 $0xA;
	s4 =	simm.s32 $0x10  }
0x92: {  	[smem:s4], [sflag:s15] =	dma.local [hbm:s2], $0x1  }
0x93: {  	_ =	swait.eq [sflag:s15], $0x1  }
0x94: {  	[sflag:s15] =	ssyncset.done $0x0  }
0x95: {  	[sflag:s15] =	ssyncadd.s32 $0xFFFFFFFF  }
0x96: {  	s16 =	sld [smem:$0x10];
	(tm) =	ssettm $0x1  }
0x97: {  	s17 =	sld [smem:$0x3FFB];
	_ =	sdelay $0x3  }
0x98: {  	_ =	strace s17  }
0x99: {  	s3 =	sld [smem:$0x3FFC];
	_ =	sdelay $0x3  }
0x9a: {  	_ =	strace s3  }
0x9b: {  	s3 =	sld [smem:$0x3FFD];
	_ =	sdelay $0x3  }
0x9c: {  	_ =	strace s3  }
0x9d: {  	_ =	strace $0x8FFFFFFF  }
0x9e: {  	s18 =	sld [smem:$0x3FDB];
	_ =	sdelay $0x1  }
0x9f: {  	s19 =	simm.s32 $_scs_section_size  }
0xa0: {  	s5 =	simm.s32 $_size__tile_overlayer_lowered;
	s6 =	simm.s32 $_tile_overlayer_lowered  }
0xa1: {  	s22 =	simm.s32 $0x1BFF;
	s21 =	sshll.u32 s6, $0x1;
	s3 =	sadd.s32 s19, s18  }
0xa2: {  	s7 =	simm.s32 $0x0;
	s20 =	sshll.u32 s5, $0x1;
	s5 =	sadd.s32 s21, s3  }
0xa3: {  	[timem:s7], [sflag:s22] =	dma.local [hbm:s5], s20  }
0xa4: {  	_ =	swait.ge [sflag:s22], s20  }
0xa5: {  	s4 =	ssub.s32 $0x0, s20;
	[sflag:s22] =	ssyncset.done $0x0  }
0xa6: {  	[sflag:s22] =	ssyncadd.s32 s4;
	_ =	sdelay $0x1  }
0xa7: {  	s23 =	simm.s32 $0x1B8B  }
0xa8: {  	_ =	swait.ge [sflag:s23], $0x1  }
0xa9: {  	[sflag:s23] =	ssyncset.done $0x0  }
0xaa: {  	s25 =	simm.s32 $0x1B8E;
	s24 =	sld [smem:$0x3FFE];
	[sflag:s23] =	ssyncadd.s32 $0xFFFFFFFF  }
0xab: {  	s26 =	simm.s32 $execute0_lowered;
	[smem:$0x3FD2] =	sst s25  }
0xac: {  	s5 =	sshll.u32 s26, $0x1;
	_ =	strace $0x80000049;
	[dreg:$0x1] =	wrdreg $0xFFFFFFFF  }
0xad: {  	s28 =	simm.s32 $_size_execute0_lowered;
	s3 =	sadd.s32 s3, s5;
	[dreg:$0x0] =	wrdreg $0x0  }
0xae: {  	s5 =	sshll.u32 s28, $0x1;
	[dreg:$0x2] =	wrdreg s3  }
0xaf: {  	[dreg:$0x3] =	wrdreg s5  }
0xb0: {  	[dreg:$0x4] =	wrdreg $0xC0  }
0xb1: {  	_ =	task [dreg:s7], $0x5FFFF  }
0xb2: {  	[dreg:$0x1] =	wrdreg $0xFFFFFFFF  }
0xb3: {  	[dreg:$0x0] =	wrdreg $0x60  }
0xb4: {  	[dreg:$0x2] =	wrdreg s24  }
0xb5: {  	[dreg:$0x3] =	wrdreg s16  }
0xb6: {  	[dreg:$0x4] =	wrdreg $0x9  }
0xb7: {  	_ =	task.clear_ibuf [dreg:s7], $0x5FFFF;
	_ =	strace $0x90000049  }
0xb8: {  	s29 =	simm.s32 $0x9;
	_ =	strace $0x8000004B  }
0xb9: {  	_ =	swait.ge [sflag:s29], $0x1  }
0xba: {  	[sflag:s29] =	ssyncadd.s32 $0xFFFFFFFF  }
0xbb: {  	_ =	strace $0x9000004B  }
0xbc: {  	_ =	sfence  }
0xbd: {  	s30 =	sld [smem:$0x0];
	_ =	sdelay $0x2  }
0xbe: {  	s31 =	sshll.u32 s1, $0xD;
	s1 =	sshrl.u32 s1, $0x2  }
0xbf: {  	s3 =	sand.u32 $0x4000, s31;
	s1 =	sadd.s32 s1, s30  }
0xc0: {  	s0 =	sor.u32 s3, s0;
	s1 =	sshll.u32 s1, $0x11  }
0xc1: {  	s0 =	sor.u32 s1, s0  }
0xc2: {  	s0 =	sadd.s32 $0x8F2B, s0  }
0xc3: {  	[sflag:s0] =	ssyncadd.remote.s32 $0x1  }
0xc4: {  	_ =	sfence.sel $0xFFFF  }
0xc5: {  	[dreg:$0x0] =	wrdreg $0xFFFFFFFF;
	(pc) =	sbr.abs _section_cstart, $3  }
0xc6: {  	[dreg:$0x1] =	wrdreg $0xFFFFFFFF  }
0xc7: {  	_ =	task.clear_ibuf [dreg:s7], $0x2FFFF;
	_ =	strace $0x9FFFFFFF  }
0xc8: {  	(tm) =	ssettm $0x7FFFFFFF  }
0xc9: {  	_ =	shalt  }
tec
execute0_lowered:
.L_overlay_start_1:
0x0: {  	(tag) =	ssettag $0x1  }
0x1: {  	s0 =	rddreg [dreg:$0x0]  }
0x2: {  	s5 =	rddreg [dreg:$0x1];
	s3 =	srdreg.scid  }
0x3: {  	s2 =	simm.s32 $0x0;
	s1 =	stileid.u32;
	s26 =	simm.s32 $0x880  }
0x4: {  	s10 =	simm.s32 $0x1880;
	s11 =	simm.s32 $0x2080;
	s12 =	simm.s32 $0x2880  }
0x5: {  	s13 =	simm.s32 $0x3080;
	s14 =	simm.s32 $0x3880;
	s15 =	simm.s32 $0x4080  }
0x6: {  	s16 =	simm.s32 $0x4880;
	s17 =	simm.s32 $0x5080;
	s18 =	simm.s32 $0x5880  }
0x7: {  	s19 =	simm.s32 $0x6080;
	s20 =	simm.s32 $0x6880;
	s21 =	simm.s32 $0x7080  }
0x8: {  	s22 =	simm.s32 $0x7880;
	s28 =	simm.s32 $0xA080;
	s29 =	simm.s32 $0xA880  }
0x9: {  	s30 =	simm.s32 $0xB080;
	s31 =	simm.s32 $0xB880;
	s3 =	sand.u32 $0x1, s3  }
0xa: {  	[smem:$0x7FF] =	sst s2;
	s4 =	sshll.u32 s1, $0x4;
	s6 =	sshll.u32 s3, $0x3  }
0xb: {  	_ =	strace $0x8000004A;
	s23 =	ssub.s32 $0x2, s3;
	s3 =	sadd.s32 $0xAE800, s0  }
0xc: {  	[dreg:$0x5] =	wrdreg s26;
	s26 =	simm.s32 $0x9880;
	s4 =	sor.u32 s6, s4  }
0xd: {  	s8 =	sshrl.u32 s23, $0x1;
	s7 =	sadd.s32 s4, s0;
	s9 =	smul.u32 $0x300, s4  }
0xe: {  	s6 =	ssub.s32 s23, s8;
	s4 =	sadd.s32 $0xAE900, s0;
	s8 =	simm.s32 $0x80  }
0xf: {  	s23 =	simm.s32 $0x8080;
	s24 =	sadd.s32 $0x19E00, s7;
	s6 =	smax.u32 s6, $0x1  }
0x10: {  	v2 =	vlaneseq.u32;
	s7 =	simm.s32 $0x2;
	[dreg:$0x3] =	wrdreg s24;
	s25 =	sadd.s32 s5, s9  }
0x11: {  	vm0 =	vmmov $0xffff;
	v1 =	vshrl.u32 v2, $0x3;
	s5 =	sadd.s32 $0xAEA00, s0;
	s9 =	simm.s32 $0x1080;
	s24 =	simm.s32 $0x8880  }
0x12: {  	v0 =	vand.u32 $0x7, v2;
	v2 =	vor.u32 $0x8, v2;
	v1 =	vmul.u32 $0x8, v1;
	s0 =	simm.s32 $0x1;
	[dreg:$0x4] =	wrdreg s25;
	s25 =	simm.s32 $0x9080  }
.LBB2_1:
0x13: {  	s1 =	rddreg [dreg:$0x3]  }
0x14: {  	[tilespmem:s2], [sflag:$0x2] =	stream.linear.gather [hbm4b:s1+s2], $0x40, $0x38;
	[tilespmem:$0xC080] =	vst v63  }
0x15: {  	_ =	swait.ge [sflag:s7], $0x40  }
0x16: {  	[sflag:s7] =	ssyncset.done $0x0  }
0x17: {  	[sflag:s7] =	ssyncadd.s32 $0xFFFFFFC0  }
0x18: {  	v3 =	vld [tilespmem:$0x0];
	_ =	sdelay $0x4  }
0x19: {  	v4 =	vshrl.u32 v3, $0x3  }
0x1a: {  	v4 =	vmul.u32 $0x30, v4  }
0x1b: {  	v3 =	vand.u32 $0x7, v3  }
0x1c: {  	v3 =	vor.u32 v3, v4  }
0x1d: {  	v4 =	vperm.xlane v3, v0;
	_ =	sdelay $0x1  }
0x1e: {  	v4 =	vadd.s32 v1, v4;
	_ =	sdelay $0x3  }
0x1f: {  	v3 =	vperm.xlane v3, v2  }
0x20: {  	[tilespmem:s8], [sflag:$0x1] =	stream.indirect_vreg.gather [hbm4b:s3+s2], $0x80, v4, vm0, $0xb8;
	[tilespmem:$0xC080] =	vst v63  }
0x21: {  	s1 =	rddreg [dreg:$0x5];
	v3 =	vadd.s32 v1, v3  }
0x22: {  	[tilespmem:s1], [sflag:$0x1] =	stream.indirect_vreg.gather [hbm4b:s4+s2], $0x80, v4, vm0, $0xb8;
	[tilespmem:$0xC080] =	vst v63  }
0x23: {  	_ = 	snop  }
0x24: {  	[tilespmem:s9], [sflag:$0x1] =	stream.indirect_vreg.gather [hbm4b:s5+s2], $0x80, v4, vm0, $0xb8;
	[tilespmem:$0xC080] =	vst v63  }
0x25: {  	_ = 	snop  }
0x26: {  	[tilespmem:s10], [sflag:$0x1] =	stream.indirect_vreg.gather [hbm4b:s3+s2], $0x80, v3, vm0, $0xb8;
	[tilespmem:$0xC080] =	vst v63  }
0x27: {  	_ = 	snop  }
0x28: {  	[tilespmem:s11], [sflag:$0x1] =	stream.indirect_vreg.gather [hbm4b:s4+s2], $0x80, v3, vm0, $0xb8;
	[tilespmem:$0xC080] =	vst v63  }
0x29: {  	_ = 	snop  }
0x2a: {  	[tilespmem:s12], [sflag:$0x1] =	stream.indirect_vreg.gather [hbm4b:s5+s2], $0x80, v3, vm0, $0xb8;
	[tilespmem:$0xC080] =	vst v63  }
0x2b: {  	v3 =	vld [tilespmem:$0x10];
	_ =	sdelay $0x4  }
0x2c: {  	v61 =	vshrl.u32 v3, $0x3  }
0x2d: {  	v4 =	vmul.u32 $0x30, v61  }
0x2e: {  	v3 =	vand.u32 $0x7, v3  }
0x2f: {  	v3 =	vor.u32 v3, v4  }
0x30: {  	v4 =	vperm.xlane v3, v0;
	_ =	sdelay $0x1  }
0x31: {  	v4 =	vadd.s32 v1, v4;
	_ =	sdelay $0x3  }
0x32: {  	v3 =	vperm.xlane v3, v2  }
0x33: {  	[tilespmem:s13], [sflag:$0x1] =	stream.indirect_vreg.gather [hbm4b:s3+s2], $0x80, v4, vm0, $0xb8;
	[tilespmem:$0xC080] =	vst v63  }
0x34: {  	v3 =	vadd.s32 v1, v3  }
0x35: {  	[tilespmem:s14], [sflag:$0x1] =	stream.indirect_vreg.gather [hbm4b:s4+s2], $0x80, v4, vm0, $0xb8;
	[tilespmem:$0xC080] =	vst v63  }
0x36: {  	_ = 	snop  }
0x37: {  	[tilespmem:s15], [sflag:$0x1] =	stream.indirect_vreg.gather [hbm4b:s5+s2], $0x80, v4, vm0, $0xb8;
	[tilespmem:$0xC080] =	vst v63  }
0x38: {  	_ = 	snop  }
0x39: {  	[tilespmem:s16], [sflag:$0x1] =	stream.indirect_vreg.gather [hbm4b:s3+s2], $0x80, v3, vm0, $0xb8;
	[tilespmem:$0xC080] =	vst v63  }
0x3a: {  	_ = 	snop  }
0x3b: {  	[tilespmem:s17], [sflag:$0x1] =	stream.indirect_vreg.gather [hbm4b:s4+s2], $0x80, v3, vm0, $0xb8;
	[tilespmem:$0xC080] =	vst v63  }
0x3c: {  	_ = 	snop  }
0x3d: {  	[tilespmem:s18], [sflag:$0x1] =	stream.indirect_vreg.gather [hbm4b:s5+s2], $0x80, v3, vm0, $0xb8;
	[tilespmem:$0xC080] =	vst v63  }
0x3e: {  	v3 =	vld [tilespmem:$0x20];
	_ =	sdelay $0x4  }
0x3f: {  	v62 =	vshrl.u32 v3, $0x3  }
0x40: {  	v4 =	vmul.u32 $0x30, v62  }
0x41: {  	v3 =	vand.u32 $0x7, v3  }
0x42: {  	v3 =	vor.u32 v3, v4  }
0x43: {  	v4 =	vperm.xlane v3, v0;
	_ =	sdelay $0x1  }
0x44: {  	v4 =	vadd.s32 v1, v4;
	_ =	sdelay $0x3  }
0x45: {  	v3 =	vperm.xlane v3, v2  }
0x46: {  	[tilespmem:s19], [sflag:$0x1] =	stream.indirect_vreg.gather [hbm4b:s3+s2], $0x80, v4, vm0, $0xb8;
	[tilespmem:$0xC080] =	vst v63  }
0x47: {  	v3 =	vadd.s32 v1, v3  }
0x48: {  	[tilespmem:s20], [sflag:$0x1] =	stream.indirect_vreg.gather [hbm4b:s4+s2], $0x80, v4, vm0, $0xb8;
	[tilespmem:$0xC080] =	vst v63  }
0x49: {  	_ = 	snop  }
0x4a: {  	[tilespmem:s21], [sflag:$0x1] =	stream.indirect_vreg.gather [hbm4b:s5+s2], $0x80, v4, vm0, $0xb8;
	[tilespmem:$0xC080] =	vst v63  }
0x4b: {  	_ = 	snop  }
0x4c: {  	[tilespmem:s22], [sflag:$0x1] =	stream.indirect_vreg.gather [hbm4b:s3+s2], $0x80, v3, vm0, $0xb8;
	[tilespmem:$0xC080] =	vst v63  }
0x4d: {  	_ = 	snop  }
0x4e: {  	[tilespmem:s23], [sflag:$0x1] =	stream.indirect_vreg.gather [hbm4b:s4+s2], $0x80, v3, vm0, $0xb8;
	[tilespmem:$0xC080] =	vst v63  }
0x4f: {  	_ = 	snop  }
0x50: {  	[tilespmem:s24], [sflag:$0x1] =	stream.indirect_vreg.gather [hbm4b:s5+s2], $0x80, v3, vm0, $0xb8;
	[tilespmem:$0xC080] =	vst v63  }
0x51: {  	v3 =	vld [tilespmem:$0x30];
	_ =	sdelay $0x4  }
0x52: {  	v63 =	vshrl.u32 v3, $0x3  }
0x53: {  	v4 =	vmul.u32 $0x30, v63  }
0x54: {  	v3 =	vand.u32 $0x7, v3  }
0x55: {  	v3 =	vor.u32 v3, v4  }
0x56: {  	v4 =	vperm.xlane v3, v0;
	_ =	sdelay $0x1  }
0x57: {  	v4 =	vadd.s32 v1, v4;
	_ =	sdelay $0x3  }
0x58: {  	v3 =	vperm.xlane v3, v2  }
0x59: {  	[tilespmem:s25], [sflag:$0x1] =	stream.indirect_vreg.gather [hbm4b:s3+s2], $0x80, v4, vm0, $0xb8;
	[tilespmem:$0xC080] =	vst v63  }
0x5a: {  	v3 =	vadd.s32 v1, v3  }
0x5b: {  	[tilespmem:s26], [sflag:$0x1] =	stream.indirect_vreg.gather [hbm4b:s4+s2], $0x80, v4, vm0, $0xb8;
	[tilespmem:$0xC080] =	vst v63  }
0x5c: {  	_ = 	snop  }
0x5d: {  	[tilespmem:s28], [sflag:$0x1] =	stream.indirect_vreg.gather [hbm4b:s5+s2], $0x80, v4, vm0, $0xb8;
	[tilespmem:$0xC080] =	vst v63  }
0x5e: {  	_ = 	snop  }
0x5f: {  	[tilespmem:s29], [sflag:$0x1] =	stream.indirect_vreg.gather [hbm4b:s3+s2], $0x80, v3, vm0, $0xb8;
	[tilespmem:$0xC080] =	vst v63  }
0x60: {  	_ = 	snop  }
0x61: {  	[tilespmem:s30], [sflag:$0x1] =	stream.indirect_vreg.gather [hbm4b:s4+s2], $0x80, v3, vm0, $0xb8;
	[tilespmem:$0xC080] =	vst v63  }
0x62: {  	_ = 	snop  }
0x63: {  	[tilespmem:s31], [sflag:$0x1] =	stream.indirect_vreg.gather [hbm4b:s5+s2], $0x80, v3, vm0, $0xb8;
	[tilespmem:$0xC080] =	vst v63  }
0x64: {  	_ =	swait.ge [sflag:s0], $0xC000  }
0x65: {  	p0 =	sne.s32 s6, $0x1;
	[sflag:s0] =	ssyncset.done $0x0  }
.Ltmp0:
0x66: {  	s1 =	rddreg [dreg:$0x4];
	[sflag:s0] =	ssyncadd.s32 $0xFFFF4000;
	(pc) =	sbr.rel @p0 .LBB2_1-.Ltmp0, $4  }
0x67: {  	[hbm4b:s1+s2] =	stream.linear.scatter [tilespmem:s8], [sflag:$0x2], $0xC000, $0x38;
	[tilespmem:$0xC080] =	vst v63  }
0x68: {  	_ =	swait.ge [sflag:s7], $0xC000  }
0x69: {  	[sflag:s7] =	ssyncset.done $0x0  }
0x6a: {  	s6 =	sadd.s32 $0xFFFFFFFF, s6;
	[sflag:s7] =	ssyncadd.s32 $0xFFFF4000  }
0x6b: {  	_ =	sfence.sel $0x180000  }
0x6c: {  	[bflag:$0x0] =	sbarrier.arrive $0xFFFF  }
0x6d: {  	_ =	strace $0x9000004A  }
0x6e: {  	s0 =	stileid.u32;
	[bflag:$0x2] =	sbarrier.arrive $0xFFFF  }
0x6f: {  	p0 =	sne.s32 s0, $0x0;
	s0 =	rddreg [dreg:$0x2]  }
0x70: {  	s0 =	sadd.s32 @!p0 $0x100000, s0  }
0x71: {  	[sflag:s0] =	ssyncadd.tile.s32 @!p0 $0x1;
	_ =	shalt  }
.Lfunc_end2:
_tile_overlayer_lowered:
.L_overlay_start_2:
0x72: {  	(tag) =	ssettag $0x2  }
0x73: {  	s0 =	rddreg [dreg:$0x0];
	s2 =	stileid.u32  }
0x74: {  	s1 =	rddreg [dreg:$0x1];
	p0 =	sne.s32 s2, $0x0  }
0x75: {  	s3 =	rddreg [dreg:$0x2];
	[bflag:$0x3] =	sbarrier.arrive $0xFFFF;
	s2 =	simm.s32 @!p0 $0x1C02  }
0x76: {  	[timem:s3], [sflag:s2] =	dma.local @!p0 [hbm:s0], s1  }
0x77: {  	s0 =	simm.s32 @!p0 $0x2  }
0x78: {  	_ =	swait.ge @!p0 [sflag:s0], s1  }
0x79: {  	s1 =	ssub.s32 @!p0 $0x0, s1;
	[sflag:s0] =	ssyncset.done @!p0 $0x0  }
0x7a: {  	[sflag:s0] =	ssyncadd.s32 @!p0 s1  }
0x7b: {  	[bflag:$0x3] =	sbarrier.arrive $0xFFFF  }
0x7c: {  	_ =	shalt  }

</sc_bundles>
